<compile_context>
chip_gen: v7x
topology: tpu7x:2x2x1
jax: 0.10.2.dev20260603
libtpu: 0.0.44.dev20260713+nightly
codegen_flags: <defaults>
</compile_context>

<pallas_src>
import functools

import jax
import jax.numpy as jnp
from jax import lax
from jax.experimental import pallas as pl
from jax.experimental.pallas import tpu as pltpu
from jax.experimental.pallas import tpu_sc as plsc

_DH, _DW, _KH, _KW = 2, 2, 2, 2

_N, _C, _HIN, _WIN = 4, 96, 192, 192
_M = _HIN * _WIN
_HOUT = (_HIN - 1) * _DH + _KH
_WOUT = (_WIN - 1) * _DW + _KW
_D = _HOUT * _WOUT
_B = _N * _C
_SENTINEL = 0x7FFFFFFF

_NW = 32
_ROWS_PER_W = _B // _NW
_HALF = _D // 2
_CH = 9216
_NCHUNK = _M // _CH


def _sc_scatter(keys, vals):
    info = plsc.get_sparse_core_info()
    assert info.num_cores * info.num_subcores == _NW

    mesh = plsc.VectorSubcoreMesh(core_axis_name="c", subcore_axis_name="s")

    @functools.partial(
        pl.kernel,
        out_type=jax.ShapeDtypeStruct((_B * _D,), jnp.float32),
        mesh=mesh,
        scratch_types=[
            pltpu.VMEM((_CH,), jnp.int32),
            pltpu.VMEM((_CH,), jnp.float32),
            pltpu.VMEM((_HALF,), jnp.float32),
        ],
        compiler_params=pltpu.CompilerParams(needs_layout_passes=False),
    )
    def k(key_hbm, val_hbm, out_hbm, key_buf, val_buf, tile_buf):
        wid = lax.axis_index("s") * info.num_cores + lax.axis_index("c")
        zv = jnp.zeros((16,), jnp.float32)

        def row_body(r, _):
            row = wid * _ROWS_PER_W + r
            seg = row * _M
            out_base = row * _D

            for h in range(2):
                base = out_base + h * _HALF

                def zero_body(i, _):
                    tile_buf[pl.ds(i * 16, 16)] = zv
                    return 0

                lax.fori_loop(0, _HALF // 16, zero_body, 0, unroll=8)

                def chunk_body(c, _):
                    off = seg + c * _CH
                    pltpu.sync_copy(key_hbm.at[pl.ds(off, _CH)], key_buf)
                    pltpu.sync_copy(val_hbm.at[pl.ds(off, _CH)], val_buf)

                    def scan_body(j, _):
                        pk = key_buf[pl.ds(j * 16, 16)]
                        vv = val_buf[pl.ds(j * 16, 16)]
                        rel = pk - base
                        m = plsc.bitcast(rel, jnp.uint32) < jnp.uint32(_HALF)
                        relc = jnp.where(m, rel, 0)
                        plsc.store_scatter(tile_buf, [relc], vv, mask=m)
                        return 0

                    lax.fori_loop(0, _CH // 16, scan_body, 0, unroll=4)
                    return 0

                lax.fori_loop(0, _NCHUNK, chunk_body, 0)
                pltpu.sync_copy(tile_buf, out_hbm.at[pl.ds(base, _HALF)])
            return 0

        lax.fori_loop(0, _ROWS_PER_W, row_body, 0)

    return k(keys, vals)


def kernel(input, indices):
    n, c, hin, win = input.shape
    idxf = indices.reshape(-1)
    valf = input.reshape(-1)
    rowf = lax.broadcasted_iota(jnp.int32, (_B, _M), 0).reshape(-1)
    gkey = rowf * _D + idxf

    s_key, s_val = lax.sort((gkey, valf), dimension=0, num_keys=1,
                            is_stable=False)
    nxt = jnp.concatenate([s_key[1:], jnp.full((1,), -1, jnp.int32)])
    pk = jnp.where(s_key != nxt, s_key, jnp.int32(_SENTINEL))

    out = _sc_scatter(pk, s_val)
    return out.reshape(n, c, _HOUT, _WOUT)

# --- scband reference (transcript-rebuilt; emitter-appended) ---
"""Pipeline reference for scband-max-unpool2d-3058016715406 (READ-ONLY COPY).

The authoritative reference and input builder live on the scoring server;
editing this copy changes nothing except your own understanding.
"""

import jax, jax.numpy as jnp
import numpy as np

KH, KW = 2, 2
DH, DW = 2, 2
PADH, PADW = 0, 0

N, C, HIN, WIN = 4, 96, 192, 192
HOUT = (HIN - 1) * DH + KH - 2 * PADH
WOUT = (WIN - 1) * DW + KW - 2 * PADW


def setup_inputs(seed: int = 0) -> dict:
    key = jax.random.key(seed)
    k1, k2 = jax.random.split(key)
    x = jax.random.normal(k1, (N, C, HIN, WIN), dtype=jnp.float32)
    indices = jax.random.randint(k2, (N, C, HIN, WIN), 0, HOUT * WOUT, dtype=jnp.int32)
    return {"input": x, "indices": indices}


def reference(input, indices):
    n, c, hin, win = input.shape
    hout = (hin - 1) * DH + KH - 2 * PADH
    wout = (win - 1) * DW + KW - 2 * PADW
    flat_vals = input.reshape(n, c, hin * win)
    flat_idx = indices.reshape(n, c, hin * win)

    def scatter_one(v, i):
        # scatter-overwrite: place each pooled value at its max location
        return jnp.zeros((hout * wout,), dtype=v.dtype).at[i].set(v)

    out = jax.vmap(jax.vmap(scatter_one))(flat_vals, flat_idx)
    return out.reshape(n, c, hout, wout)

if __name__ == "__main__":
    import jax
    _d = setup_inputs()
    print(jax.jit(kernel)(*tuple(_d.values())))

</pallas_src>

<mosaic_0001>
#map = affine_map<(d0, d1) -> (0)>
module attributes {stable_mosaic.version = 14 : i64} {
  func.func @k(%arg0: i32, %arg1: i32, %arg2: memref<14155776xi32, #tpu.memory_space<hbm>>, %arg3: memref<14155776xf32, #tpu.memory_space<hbm>>, %arg4: memref<56623104xf32, #tpu.memory_space<hbm>>, %arg5: memref<9216xi32, #tpu.memory_space<vmem>>, %arg6: memref<9216xf32, #tpu.memory_space<vmem>>, %arg7: memref<73728xf32, #tpu.memory_space<vmem>>) attributes {dimension_semantics = [#tpu.dimension_semantics<core_parallel>, #tpu.dimension_semantics<subcore_parallel>], iteration_bounds = array<i64: 2, 16>, scalar_prefetch = 0 : i64, scratch_operands = 3 : i64, tpu.core_type = #tpu.core_type<sc_vector_subcore>, window_params = [{transform_indices = #map}, {transform_indices = #map}, {transform_indices = #map}]} {
    %mul3A = arith.constant 2 : i32
    %mul3A_0 = arith.muli %arg1, %mul3A : i32
    %add3A = arith.addi %mul3A_0, %arg0 : i32
    %broadcast_in_dim3A = arith.constant 0.000000e+00 : f32
    %broadcast_in_dim3A_1 = vector.broadcast %broadcast_in_dim3A : f32 to vector<16xf32>
    %scan3A = arith.constant 0 : i32
    %scan3A_2 = arith.constant 0 : i32
    %scan3A_3 = arith.constant 12 : i32
    %scan3A_4 = arith.addi %scan3A_2, %scan3A_3 : i32
    %scan3A_5 = arith.constant 1 : i32
    %scan3A_6 = scf.for %scan3A_8 = %scan3A_2 to %scan3A_4 step %scan3A_5 iter_args(%scan3A_9 = %scan3A) -> (i32)  : i32 {
      %mul3A_10 = arith.constant 12 : i32
      %mul3A_11 = arith.muli %add3A, %mul3A_10 : i32
      %add3A_12 = arith.addi %mul3A_11, %scan3A_8 : i32
      %mul3A_13 = arith.constant 36864 : i32
      %mul3A_14 = arith.muli %add3A_12, %mul3A_13 : i32
      %mul3A_15 = arith.constant 147456 : i32
      %mul3A_16 = arith.muli %add3A_12, %mul3A_15 : i32
      %add3A_17 = arith.constant 0 : i32
      %add3A_18 = arith.addi %mul3A_16, %add3A_17 : i32
      %scan3A_19 = arith.constant 0 : i32
      %scan3A_20 = arith.constant 0 : i32
      %scan3A_21 = arith.constant 4608 : i32
      %scan3A_22 = arith.addi %scan3A_20, %scan3A_21 : i32
      %scan3A_23 = arith.constant 8 : i32
      %scan3A_24 = scf.for %scan3A_50 = %scan3A_20 to %scan3A_22 step %scan3A_23 iter_args(%scan3A_51 = %scan3A_19) -> (i32)  : i32 {
        %mul3A_52 = arith.constant 16 : i32
        %mul3A_53 = arith.muli %scan3A_50, %mul3A_52 : i32
        %swap3A = arith.index_cast %mul3A_53 : i32 to index
        %swap3A_54 = tpu.vector_load %arg7[%swap3A] {strides = array<i32>} : memref<73728xf32, #tpu.memory_space<vmem>>, vector<16xf32>,
        tpu.vector_store %arg7[%swap3A], %broadcast_in_dim3A_1 {strides = array<i32>} : memref<73728xf32, #tpu.memory_space<vmem>>, vector<16xf32>,
        %scan3A_55 = arith.constant 0 : i32
        %scan3A_56 = arith.constant 1 : i32
        %scan3A_57 = arith.addi %scan3A_50, %scan3A_56 : i32
        %mul3A_58 = arith.constant 16 : i32
        %mul3A_59 = arith.muli %scan3A_57, %mul3A_58 : i32
        %swap3A_60 = arith.index_cast %mul3A_59 : i32 to index
        %swap3A_61 = tpu.vector_load %arg7[%swap3A_60] {strides = array<i32>} : memref<73728xf32, #tpu.memory_space<vmem>>, vector<16xf32>,
        tpu.vector_store %arg7[%swap3A_60], %broadcast_in_dim3A_1 {strides = array<i32>} : memref<73728xf32, #tpu.memory_space<vmem>>, vector<16xf32>,
        %scan3A_62 = arith.constant 0 : i32
        %scan3A_63 = arith.constant 2 : i32
        %scan3A_64 = arith.addi %scan3A_50, %scan3A_63 : i32
        %mul3A_65 = arith.constant 16 : i32
        %mul3A_66 = arith.muli %scan3A_64, %mul3A_65 : i32
        %swap3A_67 = arith.index_cast %mul3A_66 : i32 to index
        %swap3A_68 = tpu.vector_load %arg7[%swap3A_67] {strides = array<i32>} : memref<73728xf32, #tpu.memory_space<vmem>>, vector<16xf32>,
        tpu.vector_store %arg7[%swap3A_67], %broadcast_in_dim3A_1 {strides = array<i32>} : memref<73728xf32, #tpu.memory_space<vmem>>, vector<16xf32>,
        %scan3A_69 = arith.constant 0 : i32
        %scan3A_70 = arith.constant 3 : i32
        %scan3A_71 = arith.addi %scan3A_50, %scan3A_70 : i32
        %mul3A_72 = arith.constant 16 : i32
        %mul3A_73 = arith.muli %scan3A_71, %mul3A_72 : i32
        %swap3A_74 = arith.index_cast %mul3A_73 : i32 to index
        %swap3A_75 = tpu.vector_load %arg7[%swap3A_74] {strides = array<i32>} : memref<73728xf32, #tpu.memory_space<vmem>>, vector<16xf32>,
        tpu.vector_store %arg7[%swap3A_74], %broadcast_in_dim3A_1 {strides = array<i32>} : memref<73728xf32, #tpu.memory_space<vmem>>, vector<16xf32>,
        %scan3A_76 = arith.constant 0 : i32
        %scan3A_77 = arith.constant 4 : i32
        %scan3A_78 = arith.addi %scan3A_50, %scan3A_77 : i32
        %mul3A_79 = arith.constant 16 : i32
        %mul3A_80 = arith.muli %scan3A_78, %mul3A_79 : i32
        %swap3A_81 = arith.index_cast %mul3A_80 : i32 to index
        %swap3A_82 = tpu.vector_load %arg7[%swap3A_81] {strides = array<i32>} : memref<73728xf32, #tpu.memory_space<vmem>>, vector<16xf32>,
        tpu.vector_store %arg7[%swap3A_81], %broadcast_in_dim3A_1 {strides = array<i32>} : memref<73728xf32, #tpu.memory_space<vmem>>, vector<16xf32>,
        %scan3A_83 = arith.constant 0 : i32
        %scan3A_84 = arith.constant 5 : i32
        %scan3A_85 = arith.addi %scan3A_50, %scan3A_84 : i32
        %mul3A_86 = arith.constant 16 : i32
        %mul3A_87 = arith.muli %scan3A_85, %mul3A_86 : i32
        %swap3A_88 = arith.index_cast %mul3A_87 : i32 to index
        %swap3A_89 = tpu.vector_load %arg7[%swap3A_88] {strides = array<i32>} : memref<73728xf32, #tpu.memory_space<vmem>>, vector<16xf32>,
        tpu.vector_store %arg7[%swap3A_88], %broadcast_in_dim3A_1 {strides = array<i32>} : memref<73728xf32, #tpu.memory_space<vmem>>, vector<16xf32>,
        %scan3A_90 = arith.constant 0 : i32
        %scan3A_91 = arith.constant 6 : i32
        %scan3A_92 = arith.addi %scan3A_50, %scan3A_91 : i32
        %mul3A_93 = arith.constant 16 : i32
        %mul3A_94 = arith.muli %scan3A_92, %mul3A_93 : i32
        %swap3A_95 = arith.index_cast %mul3A_94 : i32 to index
        %swap3A_96 = tpu.vector_load %arg7[%swap3A_95] {strides = array<i32>} : memref<73728xf32, #tpu.memory_space<vmem>>, vector<16xf32>,
        tpu.vector_store %arg7[%swap3A_95], %broadcast_in_dim3A_1 {strides = array<i32>} : memref<73728xf32, #tpu.memory_space<vmem>>, vector<16xf32>,
        %scan3A_97 = arith.constant 0 : i32
        %scan3A_98 = arith.constant 7 : i32
        %scan3A_99 = arith.addi %scan3A_50, %scan3A_98 : i32
        %mul3A_100 = arith.constant 16 : i32
        %mul3A_101 = arith.muli %scan3A_99, %mul3A_100 : i32
        %swap3A_102 = arith.index_cast %mul3A_101 : i32 to index
        %swap3A_103 = tpu.vector_load %arg7[%swap3A_102] {strides = array<i32>} : memref<73728xf32, #tpu.memory_space<vmem>>, vector<16xf32>,
        tpu.vector_store %arg7[%swap3A_102], %broadcast_in_dim3A_1 {strides = array<i32>} : memref<73728xf32, #tpu.memory_space<vmem>>, vector<16xf32>,
        %scan3A_104 = arith.constant 0 : i32
        scf.yield %scan3A_104 : i32
      }
      %scan3A_25 = arith.constant 4608 : i32
      %scan3A_26 = arith.constant 0 : i32
      %scan3A_27 = arith.constant 0 : i32
      %scan3A_28 = arith.constant 4 : i32
      %scan3A_29 = arith.addi %scan3A_27, %scan3A_28 : i32
      %scan3A_30 = arith.constant 1 : i32
      %scan3A_31 = scf.for %scan3A_50 = %scan3A_27 to %scan3A_29 step %scan3A_30 iter_args(%scan3A_51 = %scan3A_26) -> (i32)  : i32 {
        %mul3A_52 = arith.constant 9216 : i32
        %mul3A_53 = arith.muli %scan3A_50, %mul3A_52 : i32
        %add3A_54 = arith.addi %mul3A_14, %mul3A_53 : i32
        "tpu.region"() ({
          %run_scoped3A = tpu.sem_alloc : memref<!tpu.dma_semaphore, #tpu.memory_space<semaphore_mem>>
          %dma_start3A = tpu.memref_slice %arg2[%add3A_54] : memref<14155776xi32, #tpu.memory_space<hbm>> -> memref<9216xi32, #tpu.memory_space<hbm>>
          %dma_start3A_63 = tpu.memref_slice %arg2[%add3A_54] : memref<14155776xi32, #tpu.memory_space<hbm>> -> memref<9216xi32, #tpu.memory_space<hbm>>
          tpu.enqueue_dma source(%dma_start3A_63 : memref<9216xi32, #tpu.memory_space<hbm>>) target(%arg5 : memref<9216xi32, #tpu.memory_space<vmem>>) target_semaphore(%run_scoped3A : memref<!tpu.dma_semaphore, #tpu.memory_space<semaphore_mem>>)
          %dma_wait3A = tpu.memref_slice %arg2[%add3A_54] : memref<14155776xi32, #tpu.memory_space<hbm>> -> memref<9216xi32, #tpu.memory_space<hbm>>
          %dma_wait3A_64 = tpu.memref_slice %arg2[%add3A_54] : memref<14155776xi32, #tpu.memory_space<hbm>> -> memref<9216xi32, #tpu.memory_space<hbm>>
          tpu.wait_dma2 semaphore(%run_scoped3A : memref<!tpu.dma_semaphore, #tpu.memory_space<semaphore_mem>>) src(%dma_wait3A_64 : memref<9216xi32, #tpu.memory_space<hbm>>) dst(%arg5 : memref<9216xi32, #tpu.memory_space<vmem>>)
          tpu.yield
        }) : () -> ()
        "tpu.region"() ({
          %run_scoped3A = tpu.sem_alloc : memref<!tpu.dma_semaphore, #tpu.memory_space<semaphore_mem>>
          %dma_start3A = tpu.memref_slice %arg3[%add3A_54] : memref<14155776xf32, #tpu.memory_space<hbm>> -> memref<9216xf32, #tpu.memory_space<hbm>>
          %dma_start3A_63 = tpu.memref_slice %arg3[%add3A_54] : memref<14155776xf32, #tpu.memory_space<hbm>> -> memref<9216xf32, #tpu.memory_space<hbm>>
          tpu.enqueue_dma source(%dma_start3A_63 : memref<9216xf32, #tpu.memory_space<hbm>>) target(%arg6 : memref<9216xf32, #tpu.memory_space<vmem>>) target_semaphore(%run_scoped3A : memref<!tpu.dma_semaphore, #tpu.memory_space<semaphore_mem>>)
          %dma_wait3A = tpu.memref_slice %arg3[%add3A_54] : memref<14155776xf32, #tpu.memory_space<hbm>> -> memref<9216xf32, #tpu.memory_space<hbm>>
          %dma_wait3A_64 = tpu.memref_slice %arg3[%add3A_54] : memref<14155776xf32, #tpu.memory_space<hbm>> -> memref<9216xf32, #tpu.memory_space<hbm>>
          tpu.wait_dma2 semaphore(%run_scoped3A : memref<!tpu.dma_semaphore, #tpu.memory_space<semaphore_mem>>) src(%dma_wait3A_64 : memref<9216xf32, #tpu.memory_space<hbm>>) dst(%arg6 : memref<9216xf32, #tpu.memory_space<vmem>>)
          tpu.yield
        }) : () -> ()
        %scan3A_55 = arith.constant 0 : i32
        %scan3A_56 = arith.constant 0 : i32
        %scan3A_57 = arith.constant 576 : i32
        %scan3A_58 = arith.addi %scan3A_56, %scan3A_57 : i32
        %scan3A_59 = arith.constant 4 : i32
        %scan3A_60 = scf.for %scan3A_63 = %scan3A_56 to %scan3A_58 step %scan3A_59 iter_args(%scan3A_64 = %scan3A_55) -> (i32)  : i32 {
          %mul3A_65 = arith.constant 16 : i32
          %mul3A_66 = arith.muli %scan3A_63, %mul3A_65 : i32
          %get3A = arith.index_cast %mul3A_66 : i32 to index
          %get3A_67 = tpu.vector_load %arg5[%get3A] {strides = array<i32>} : memref<9216xi32, #tpu.memory_space<vmem>>, vector<16xi32>,
          %mul3A_68 = arith.constant 16 : i32
          %mul3A_69 = arith.muli %scan3A_63, %mul3A_68 : i32
          %get3A_70 = arith.index_cast %mul3A_69 : i32 to index
          %get3A_71 = tpu.vector_load %arg6[%get3A_70] {strides = array<i32>} : memref<9216xf32, #tpu.memory_space<vmem>>, vector<16xf32>,
          %sub3A = vector.broadcast %add3A_18 : i32 to vector<16xi32>
          %sub3A_72 = arith.subi %get3A_67, %sub3A : vector<16xi32>
          %bitcast3A = vector.bitcast %sub3A_72 : vector<16xi32> to vector<16xi32>
          %lt3A = arith.constant 73728 : i32
          %lt3A_73 = vector.broadcast %lt3A : i32 to vector<16xi32>
          %lt3A_74 = arith.cmpi ult, %bitcast3A, %lt3A_73 : vector<16xi32>
          %jit3A = arith.constant 0 : i32
          %broadcast_in_dim3A_75 = vector.broadcast %jit3A : i32 to vector<16xi32>
          %select_n3A = arith.select %lt3A_74, %sub3A_72, %broadcast_in_dim3A_75 : vector<16xi1>, vector<16xi32>
          tpu.vector_store_idx %arg7[%select_n3A], %get3A_71 masked %lt3A_74 : memref<73728xf32, #tpu.memory_space<vmem>>[vector<16xi32>], vector<16xf32>, vector<16xi1>
          %scan3A_76 = arith.constant 0 : i32
          %scan3A_77 = arith.constant 1 : i32
          %scan3A_78 = arith.addi %scan3A_63, %scan3A_77 : i32
          %mul3A_79 = arith.constant 16 : i32
          %mul3A_80 = arith.muli %scan3A_78, %mul3A_79 : i32
          %get3A_81 = arith.index_cast %mul3A_80 : i32 to index
          %get3A_82 = tpu.vector_load %arg5[%get3A_81] {strides = array<i32>} : memref<9216xi32, #tpu.memory_space<vmem>>, vector<16xi32>,
          %mul3A_83 = arith.constant 16 : i32
          %mul3A_84 = arith.muli %scan3A_78, %mul3A_83 : i32
          %get3A_85 = arith.index_cast %mul3A_84 : i32 to index
          %get3A_86 = tpu.vector_load %arg6[%get3A_85] {strides = array<i32>} : memref<9216xf32, #tpu.memory_space<vmem>>, vector<16xf32>,
          %sub3A_87 = vector.broadcast %add3A_18 : i32 to vector<16xi32>
          %sub3A_88 = arith.subi %get3A_82, %sub3A_87 : vector<16xi32>
          %bitcast3A_89 = vector.bitcast %sub3A_88 : vector<16xi32> to vector<16xi32>
          %lt3A_90 = arith.constant 73728 : i32
          %lt3A_91 = vector.broadcast %lt3A_90 : i32 to vector<16xi32>
          %lt3A_92 = arith.cmpi ult, %bitcast3A_89, %lt3A_91 : vector<16xi32>
          %jit3A_93 = arith.constant 0 : i32
          %broadcast_in_dim3A_94 = vector.broadcast %jit3A_93 : i32 to vector<16xi32>
          %select_n3A_95 = arith.select %lt3A_92, %sub3A_88, %broadcast_in_dim3A_94 : vector<16xi1>, vector<16xi32>
          tpu.vector_store_idx %arg7[%select_n3A_95], %get3A_86 masked %lt3A_92 : memref<73728xf32, #tpu.memory_space<vmem>>[vector<16xi32>], vector<16xf32>, vector<16xi1>
          %scan3A_96 = arith.constant 0 : i32
          %scan3A_97 = arith.constant 2 : i32
          %scan3A_98 = arith.addi %scan3A_63, %scan3A_97 : i32
          %mul3A_99 = arith.constant 16 : i32
          %mul3A_100 = arith.muli %scan3A_98, %mul3A_99 : i32
          %get3A_101 = arith.index_cast %mul3A_100 : i32 to index
          %get3A_102 = tpu.vector_load %arg5[%get3A_101] {strides = array<i32>} : memref<9216xi32, #tpu.memory_space<vmem>>, vector<16xi32>,
          %mul3A_103 = arith.constant 16 : i32
          %mul3A_104 = arith.muli %scan3A_98, %mul3A_103 : i32
          %get3A_105 = arith.index_cast %mul3A_104 : i32 to index
          %get3A_106 = tpu.vector_load %arg6[%get3A_105] {strides = array<i32>} : memref<9216xf32, #tpu.memory_space<vmem>>, vector<16xf32>,
          %sub3A_107 = vector.broadcast %add3A_18 : i32 to vector<16xi32>
          %sub3A_108 = arith.subi %get3A_102, %sub3A_107 : vector<16xi32>
          %bitcast3A_109 = vector.bitcast %sub3A_108 : vector<16xi32> to vector<16xi32>
          %lt3A_110 = arith.constant 73728 : i32
          %lt3A_111 = vector.broadcast %lt3A_110 : i32 to vector<16xi32>
          %lt3A_112 = arith.cmpi ult, %bitcast3A_109, %lt3A_111 : vector<16xi32>
          %jit3A_113 = arith.constant 0 : i32
          %broadcast_in_dim3A_114 = vector.broadcast %jit3A_113 : i32 to vector<16xi32>
          %select_n3A_115 = arith.select %lt3A_112, %sub3A_108, %broadcast_in_dim3A_114 : vector<16xi1>, vector<16xi32>
          tpu.vector_store_idx %arg7[%select_n3A_115], %get3A_106 masked %lt3A_112 : memref<73728xf32, #tpu.memory_space<vmem>>[vector<16xi32>], vector<16xf32>, vector<16xi1>
          %scan3A_116 = arith.constant 0 : i32
          %scan3A_117 = arith.constant 3 : i32
          %scan3A_118 = arith.addi %scan3A_63, %scan3A_117 : i32
          %mul3A_119 = arith.constant 16 : i32
          %mul3A_120 = arith.muli %scan3A_118, %mul3A_119 : i32
          %get3A_121 = arith.index_cast %mul3A_120 : i32 to index
          %get3A_122 = tpu.vector_load %arg5[%get3A_121] {strides = array<i32>} : memref<9216xi32, #tpu.memory_space<vmem>>, vector<16xi32>,
          %mul3A_123 = arith.constant 16 : i32
          %mul3A_124 = arith.muli %scan3A_118, %mul3A_123 : i32
          %get3A_125 = arith.index_cast %mul3A_124 : i32 to index
          %get3A_126 = tpu.vector_load %arg6[%get3A_125] {strides = array<i32>} : memref<9216xf32, #tpu.memory_space<vmem>>, vector<16xf32>,
          %sub3A_127 = vector.broadcast %add3A_18 : i32 to vector<16xi32>
          %sub3A_128 = arith.subi %get3A_122, %sub3A_127 : vector<16xi32>
          %bitcast3A_129 = vector.bitcast %sub3A_128 : vector<16xi32> to vector<16xi32>
          %lt3A_130 = arith.constant 73728 : i32
          %lt3A_131 = vector.broadcast %lt3A_130 : i32 to vector<16xi32>
          %lt3A_132 = arith.cmpi ult, %bitcast3A_129, %lt3A_131 : vector<16xi32>
          %jit3A_133 = arith.constant 0 : i32
          %broadcast_in_dim3A_134 = vector.broadcast %jit3A_133 : i32 to vector<16xi32>
          %select_n3A_135 = arith.select %lt3A_132, %sub3A_128, %broadcast_in_dim3A_134 : vector<16xi1>, vector<16xi32>
          tpu.vector_store_idx %arg7[%select_n3A_135], %get3A_126 masked %lt3A_132 : memref<73728xf32, #tpu.memory_space<vmem>>[vector<16xi32>], vector<16xf32>, vector<16xi1>
          %scan3A_136 = arith.constant 0 : i32
          scf.yield %scan3A_136 : i32
        }
        %scan3A_61 = arith.constant 576 : i32
        %scan3A_62 = arith.constant 0 : i32
        scf.yield %scan3A_62 : i32
      }
      %scan3A_32 = arith.constant 4 : i32
      "tpu.region"() ({
        %run_scoped3A = tpu.sem_alloc : memref<!tpu.dma_semaphore, #tpu.memory_space<semaphore_mem>>
        %dma_start3A = tpu.memref_slice %arg4[%add3A_18] : memref<56623104xf32, #tpu.memory_space<hbm>> -> memref<73728xf32, #tpu.memory_space<hbm>>
        %dma_start3A_50 = tpu.memref_slice %arg4[%add3A_18] : memref<56623104xf32, #tpu.memory_space<hbm>> -> memref<73728xf32, #tpu.memory_space<hbm>>
        tpu.enqueue_dma source(%arg7 : memref<73728xf32, #tpu.memory_space<vmem>>) target(%dma_start3A_50 : memref<73728xf32, #tpu.memory_space<hbm>>) target_semaphore(%run_scoped3A : memref<!tpu.dma_semaphore, #tpu.memory_space<semaphore_mem>>)
        %dma_wait3A = tpu.memref_slice %arg4[%add3A_18] : memref<56623104xf32, #tpu.memory_space<hbm>> -> memref<73728xf32, #tpu.memory_space<hbm>>
        %dma_wait3A_51 = tpu.memref_slice %arg4[%add3A_18] : memref<56623104xf32, #tpu.memory_space<hbm>> -> memref<73728xf32, #tpu.memory_space<hbm>>
        tpu.wait_dma2 semaphore(%run_scoped3A : memref<!tpu.dma_semaphore, #tpu.memory_space<semaphore_mem>>) src(%arg7 : memref<73728xf32, #tpu.memory_space<vmem>>) dst(%dma_wait3A_51 : memref<73728xf32, #tpu.memory_space<hbm>>)
        tpu.yield
      }) : () -> ()
      %add3A_33 = arith.constant 73728 : i32
      %add3A_34 = arith.addi %mul3A_16, %add3A_33 : i32
      %scan3A_35 = arith.constant 0 : i32
      %scan3A_36 = arith.constant 0 : i32
      %scan3A_37 = arith.constant 4608 : i32
      %scan3A_38 = arith.addi %scan3A_36, %scan3A_37 : i32
      %scan3A_39 = arith.constant 8 : i32
      %scan3A_40 = scf.for %scan3A_50 = %scan3A_36 to %scan3A_38 step %scan3A_39 iter_args(%scan3A_51 = %scan3A_35) -> (i32)  : i32 {
        %mul3A_52 = arith.constant 16 : i32
        %mul3A_53 = arith.muli %scan3A_50, %mul3A_52 : i32
        %swap3A = arith.index_cast %mul3A_53 : i32 to index
        %swap3A_54 = tpu.vector_load %arg7[%swap3A] {strides = array<i32>} : memref<73728xf32, #tpu.memory_space<vmem>>, vector<16xf32>,
        tpu.vector_store %arg7[%swap3A], %broadcast_in_dim3A_1 {strides = array<i32>} : memref<73728xf32, #tpu.memory_space<vmem>>, vector<16xf32>,
        %scan3A_55 = arith.constant 0 : i32
        %scan3A_56 = arith.constant 1 : i32
        %scan3A_57 = arith.addi %scan3A_50, %scan3A_56 : i32
        %mul3A_58 = arith.constant 16 : i32
        %mul3A_59 = arith.muli %scan3A_57, %mul3A_58 : i32
        %swap3A_60 = arith.index_cast %mul3A_59 : i32 to index
        %swap3A_61 = tpu.vector_load %arg7[%swap3A_60] {strides = array<i32>} : memref<73728xf32, #tpu.memory_space<vmem>>, vector<16xf32>,
        tpu.vector_store %arg7[%swap3A_60], %broadcast_in_dim3A_1 {strides = array<i32>} : memref<73728xf32, #tpu.memory_space<vmem>>, vector<16xf32>,
        %scan3A_62 = arith.constant 0 : i32
        %scan3A_63 = arith.constant 2 : i32
        %scan3A_64 = arith.addi %scan3A_50, %scan3A_63 : i32
        %mul3A_65 = arith.constant 16 : i32
        %mul3A_66 = arith.muli %scan3A_64, %mul3A_65 : i32
        %swap3A_67 = arith.index_cast %mul3A_66 : i32 to index
        %swap3A_68 = tpu.vector_load %arg7[%swap3A_67] {strides = array<i32>} : memref<73728xf32, #tpu.memory_space<vmem>>, vector<16xf32>,
        tpu.vector_store %arg7[%swap3A_67], %broadcast_in_dim3A_1 {strides = array<i32>} : memref<73728xf32, #tpu.memory_space<vmem>>, vector<16xf32>,
        %scan3A_69 = arith.constant 0 : i32
        %scan3A_70 = arith.constant 3 : i32
        %scan3A_71 = arith.addi %scan3A_50, %scan3A_70 : i32
        %mul3A_72 = arith.constant 16 : i32
        %mul3A_73 = arith.muli %scan3A_71, %mul3A_72 : i32
        %swap3A_74 = arith.index_cast %mul3A_73 : i32 to index
        %swap3A_75 = tpu.vector_load %arg7[%swap3A_74] {strides = array<i32>} : memref<73728xf32, #tpu.memory_space<vmem>>, vector<16xf32>,
        tpu.vector_store %arg7[%swap3A_74], %broadcast_in_dim3A_1 {strides = array<i32>} : memref<73728xf32, #tpu.memory_space<vmem>>, vector<16xf32>,
        %scan3A_76 = arith.constant 0 : i32
        %scan3A_77 = arith.constant 4 : i32
        %scan3A_78 = arith.addi %scan3A_50, %scan3A_77 : i32
        %mul3A_79 = arith.constant 16 : i32
        %mul3A_80 = arith.muli %scan3A_78, %mul3A_79 : i32
        %swap3A_81 = arith.index_cast %mul3A_80 : i32 to index
        %swap3A_82 = tpu.vector_load %arg7[%swap3A_81] {strides = array<i32>} : memref<73728xf32, #tpu.memory_space<vmem>>, vector<16xf32>,
        tpu.vector_store %arg7[%swap3A_81], %broadcast_in_dim3A_1 {strides = array<i32>} : memref<73728xf32, #tpu.memory_space<vmem>>, vector<16xf32>,
        %scan3A_83 = arith.constant 0 : i32
        %scan3A_84 = arith.constant 5 : i32
        %scan3A_85 = arith.addi %scan3A_50, %scan3A_84 : i32
        %mul3A_86 = arith.constant 16 : i32
        %mul3A_87 = arith.muli %scan3A_85, %mul3A_86 : i32
        %swap3A_88 = arith.index_cast %mul3A_87 : i32 to index
        %swap3A_89 = tpu.vector_load %arg7[%swap3A_88] {strides = array<i32>} : memref<73728xf32, #tpu.memory_space<vmem>>, vector<16xf32>,
        tpu.vector_store %arg7[%swap3A_88], %broadcast_in_dim3A_1 {strides = array<i32>} : memref<73728xf32, #tpu.memory_space<vmem>>, vector<16xf32>,
        %scan3A_90 = arith.constant 0 : i32
        %scan3A_91 = arith.constant 6 : i32
        %scan3A_92 = arith.addi %scan3A_50, %scan3A_91 : i32
        %mul3A_93 = arith.constant 16 : i32
        %mul3A_94 = arith.muli %scan3A_92, %mul3A_93 : i32
        %swap3A_95 = arith.index_cast %mul3A_94 : i32 to index
        %swap3A_96 = tpu.vector_load %arg7[%swap3A_95] {strides = array<i32>} : memref<73728xf32, #tpu.memory_space<vmem>>, vector<16xf32>,
        tpu.vector_store %arg7[%swap3A_95], %broadcast_in_dim3A_1 {strides = array<i32>} : memref<73728xf32, #tpu.memory_space<vmem>>, vector<16xf32>,
        %scan3A_97 = arith.constant 0 : i32
        %scan3A_98 = arith.constant 7 : i32
        %scan3A_99 = arith.addi %scan3A_50, %scan3A_98 : i32
        %mul3A_100 = arith.constant 16 : i32
        %mul3A_101 = arith.muli %scan3A_99, %mul3A_100 : i32
        %swap3A_102 = arith.index_cast %mul3A_101 : i32 to index
        %swap3A_103 = tpu.vector_load %arg7[%swap3A_102] {strides = array<i32>} : memref<73728xf32, #tpu.memory_space<vmem>>, vector<16xf32>,
        tpu.vector_store %arg7[%swap3A_102], %broadcast_in_dim3A_1 {strides = array<i32>} : memref<73728xf32, #tpu.memory_space<vmem>>, vector<16xf32>,
        %scan3A_104 = arith.constant 0 : i32
        scf.yield %scan3A_104 : i32
      }
      %scan3A_41 = arith.constant 4608 : i32
      %scan3A_42 = arith.constant 0 : i32
      %scan3A_43 = arith.constant 0 : i32
      %scan3A_44 = arith.constant 4 : i32
      %scan3A_45 = arith.addi %scan3A_43, %scan3A_44 : i32
      %scan3A_46 = arith.constant 1 : i32
      %scan3A_47 = scf.for %scan3A_50 = %scan3A_43 to %scan3A_45 step %scan3A_46 iter_args(%scan3A_51 = %scan3A_42) -> (i32)  : i32 {
        %mul3A_52 = arith.constant 9216 : i32
        %mul3A_53 = arith.muli %scan3A_50, %mul3A_52 : i32
        %add3A_54 = arith.addi %mul3A_14, %mul3A_53 : i32
        "tpu.region"() ({
          %run_scoped3A = tpu.sem_alloc : memref<!tpu.dma_semaphore, #tpu.memory_space<semaphore_mem>>
          %dma_start3A = tpu.memref_slice %arg2[%add3A_54] : memref<14155776xi32, #tpu.memory_space<hbm>> -> memref<9216xi32, #tpu.memory_space<hbm>>
          %dma_start3A_63 = tpu.memref_slice %arg2[%add3A_54] : memref<14155776xi32, #tpu.memory_space<hbm>> -> memref<9216xi32, #tpu.memory_space<hbm>>
          tpu.enqueue_dma source(%dma_start3A_63 : memref<9216xi32, #tpu.memory_space<hbm>>) target(%arg5 : memref<9216xi32, #tpu.memory_space<vmem>>) target_semaphore(%run_scoped3A : memref<!tpu.dma_semaphore, #tpu.memory_space<semaphore_mem>>)
          %dma_wait3A = tpu.memref_slice %arg2[%add3A_54] : memref<14155776xi32, #tpu.memory_space<hbm>> -> memref<9216xi32, #tpu.memory_space<hbm>>
          %dma_wait3A_64 = tpu.memref_slice %arg2[%add3A_54] : memref<14155776xi32, #tpu.memory_space<hbm>> -> memref<9216xi32, #tpu.memory_space<hbm>>
          tpu.wait_dma2 semaphore(%run_scoped3A : memref<!tpu.dma_semaphore, #tpu.memory_space<semaphore_mem>>) src(%dma_wait3A_64 : memref<9216xi32, #tpu.memory_space<hbm>>) dst(%arg5 : memref<9216xi32, #tpu.memory_space<vmem>>)
          tpu.yield
        }) : () -> ()
        "tpu.region"() ({
          %run_scoped3A = tpu.sem_alloc : memref<!tpu.dma_semaphore, #tpu.memory_space<semaphore_mem>>
          %dma_start3A = tpu.memref_slice %arg3[%add3A_54] : memref<14155776xf32, #tpu.memory_space<hbm>> -> memref<9216xf32, #tpu.memory_space<hbm>>
          %dma_start3A_63 = tpu.memref_slice %arg3[%add3A_54] : memref<14155776xf32, #tpu.memory_space<hbm>> -> memref<9216xf32, #tpu.memory_space<hbm>>
          tpu.enqueue_dma source(%dma_start3A_63 : memref<9216xf32, #tpu.memory_space<hbm>>) target(%arg6 : memref<9216xf32, #tpu.memory_space<vmem>>) target_semaphore(%run_scoped3A : memref<!tpu.dma_semaphore, #tpu.memory_space<semaphore_mem>>)
          %dma_wait3A = tpu.memref_slice %arg3[%add3A_54] : memref<14155776xf32, #tpu.memory_space<hbm>> -> memref<9216xf32, #tpu.memory_space<hbm>>
          %dma_wait3A_64 = tpu.memref_slice %arg3[%add3A_54] : memref<14155776xf32, #tpu.memory_space<hbm>> -> memref<9216xf32, #tpu.memory_space<hbm>>
          tpu.wait_dma2 semaphore(%run_scoped3A : memref<!tpu.dma_semaphore, #tpu.memory_space<semaphore_mem>>) src(%dma_wait3A_64 : memref<9216xf32, #tpu.memory_space<hbm>>) dst(%arg6 : memref<9216xf32, #tpu.memory_space<vmem>>)
          tpu.yield
        }) : () -> ()
        %scan3A_55 = arith.constant 0 : i32
        %scan3A_56 = arith.constant 0 : i32
        %scan3A_57 = arith.constant 576 : i32
        %scan3A_58 = arith.addi %scan3A_56, %scan3A_57 : i32
        %scan3A_59 = arith.constant 4 : i32
        %scan3A_60 = scf.for %scan3A_63 = %scan3A_56 to %scan3A_58 step %scan3A_59 iter_args(%scan3A_64 = %scan3A_55) -> (i32)  : i32 {
          %mul3A_65 = arith.constant 16 : i32
          %mul3A_66 = arith.muli %scan3A_63, %mul3A_65 : i32
          %get3A = arith.index_cast %mul3A_66 : i32 to index
          %get3A_67 = tpu.vector_load %arg5[%get3A] {strides = array<i32>} : memref<9216xi32, #tpu.memory_space<vmem>>, vector<16xi32>,
          %mul3A_68 = arith.constant 16 : i32
          %mul3A_69 = arith.muli %scan3A_63, %mul3A_68 : i32
          %get3A_70 = arith.index_cast %mul3A_69 : i32 to index
          %get3A_71 = tpu.vector_load %arg6[%get3A_70] {strides = array<i32>} : memref<9216xf32, #tpu.memory_space<vmem>>, vector<16xf32>,
          %sub3A = vector.broadcast %add3A_34 : i32 to vector<16xi32>
          %sub3A_72 = arith.subi %get3A_67, %sub3A : vector<16xi32>
          %bitcast3A = vector.bitcast %sub3A_72 : vector<16xi32> to vector<16xi32>
          %lt3A = arith.constant 73728 : i32
          %lt3A_73 = vector.broadcast %lt3A : i32 to vector<16xi32>
          %lt3A_74 = arith.cmpi ult, %bitcast3A, %lt3A_73 : vector<16xi32>
          %jit3A = arith.constant 0 : i32
          %broadcast_in_dim3A_75 = vector.broadcast %jit3A : i32 to vector<16xi32>
          %select_n3A = arith.select %lt3A_74, %sub3A_72, %broadcast_in_dim3A_75 : vector<16xi1>, vector<16xi32>
          tpu.vector_store_idx %arg7[%select_n3A], %get3A_71 masked %lt3A_74 : memref<73728xf32, #tpu.memory_space<vmem>>[vector<16xi32>], vector<16xf32>, vector<16xi1>
          %scan3A_76 = arith.constant 0 : i32
          %scan3A_77 = arith.constant 1 : i32
          %scan3A_78 = arith.addi %scan3A_63, %scan3A_77 : i32
          %mul3A_79 = arith.constant 16 : i32
          %mul3A_80 = arith.muli %scan3A_78, %mul3A_79 : i32
          %get3A_81 = arith.index_cast %mul3A_80 : i32 to index
          %get3A_82 = tpu.vector_load %arg5[%get3A_81] {strides = array<i32>} : memref<9216xi32, #tpu.memory_space<vmem>>, vector<16xi32>,
          %mul3A_83 = arith.constant 16 : i32
          %mul3A_84 = arith.muli %scan3A_78, %mul3A_83 : i32
          %get3A_85 = arith.index_cast %mul3A_84 : i32 to index
          %get3A_86 = tpu.vector_load %arg6[%get3A_85] {strides = array<i32>} : memref<9216xf32, #tpu.memory_space<vmem>>, vector<16xf32>,
          %sub3A_87 = vector.broadcast %add3A_34 : i32 to vector<16xi32>
          %sub3A_88 = arith.subi %get3A_82, %sub3A_87 : vector<16xi32>
          %bitcast3A_89 = vector.bitcast %sub3A_88 : vector<16xi32> to vector<16xi32>
          %lt3A_90 = arith.constant 73728 : i32
          %lt3A_91 = vector.broadcast %lt3A_90 : i32 to vector<16xi32>
          %lt3A_92 = arith.cmpi ult, %bitcast3A_89, %lt3A_91 : vector<16xi32>
          %jit3A_93 = arith.constant 0 : i32
          %broadcast_in_dim3A_94 = vector.broadcast %jit3A_93 : i32 to vector<16xi32>
          %select_n3A_95 = arith.select %lt3A_92, %sub3A_88, %broadcast_in_dim3A_94 : vector<16xi1>, vector<16xi32>
          tpu.vector_store_idx %arg7[%select_n3A_95], %get3A_86 masked %lt3A_92 : memref<73728xf32, #tpu.memory_space<vmem>>[vector<16xi32>], vector<16xf32>, vector<16xi1>
          %scan3A_96 = arith.constant 0 : i32
          %scan3A_97 = arith.constant 2 : i32
          %scan3A_98 = arith.addi %scan3A_63, %scan3A_97 : i32
          %mul3A_99 = arith.constant 16 : i32
          %mul3A_100 = arith.muli %scan3A_98, %mul3A_99 : i32
          %get3A_101 = arith.index_cast %mul3A_100 : i32 to index
          %get3A_102 = tpu.vector_load %arg5[%get3A_101] {strides = array<i32>} : memref<9216xi32, #tpu.memory_space<vmem>>, vector<16xi32>,
          %mul3A_103 = arith.constant 16 : i32
          %mul3A_104 = arith.muli %scan3A_98, %mul3A_103 : i32
          %get3A_105 = arith.index_cast %mul3A_104 : i32 to index
          %get3A_106 = tpu.vector_load %arg6[%get3A_105] {strides = array<i32>} : memref<9216xf32, #tpu.memory_space<vmem>>, vector<16xf32>,
          %sub3A_107 = vector.broadcast %add3A_34 : i32 to vector<16xi32>
          %sub3A_108 = arith.subi %get3A_102, %sub3A_107 : vector<16xi32>
          %bitcast3A_109 = vector.bitcast %sub3A_108 : vector<16xi32> to vector<16xi32>
          %lt3A_110 = arith.constant 73728 : i32
          %lt3A_111 = vector.broadcast %lt3A_110 : i32 to vector<16xi32>
          %lt3A_112 = arith.cmpi ult, %bitcast3A_109, %lt3A_111 : vector<16xi32>
          %jit3A_113 = arith.constant 0 : i32
          %broadcast_in_dim3A_114 = vector.broadcast %jit3A_113 : i32 to vector<16xi32>
          %select_n3A_115 = arith.select %lt3A_112, %sub3A_108, %broadcast_in_dim3A_114 : vector<16xi1>, vector<16xi32>
          tpu.vector_store_idx %arg7[%select_n3A_115], %get3A_106 masked %lt3A_112 : memref<73728xf32, #tpu.memory_space<vmem>>[vector<16xi32>], vector<16xf32>, vector<16xi1>
          %scan3A_116 = arith.constant 0 : i32
          %scan3A_117 = arith.constant 3 : i32
          %scan3A_118 = arith.addi %scan3A_63, %scan3A_117 : i32
          %mul3A_119 = arith.constant 16 : i32
          %mul3A_120 = arith.muli %scan3A_118, %mul3A_119 : i32
          %get3A_121 = arith.index_cast %mul3A_120 : i32 to index
          %get3A_122 = tpu.vector_load %arg5[%get3A_121] {strides = array<i32>} : memref<9216xi32, #tpu.memory_space<vmem>>, vector<16xi32>,
          %mul3A_123 = arith.constant 16 : i32
          %mul3A_124 = arith.muli %scan3A_118, %mul3A_123 : i32
          %get3A_125 = arith.index_cast %mul3A_124 : i32 to index
          %get3A_126 = tpu.vector_load %arg6[%get3A_125] {strides = array<i32>} : memref<9216xf32, #tpu.memory_space<vmem>>, vector<16xf32>,
          %sub3A_127 = vector.broadcast %add3A_34 : i32 to vector<16xi32>
          %sub3A_128 = arith.subi %get3A_122, %sub3A_127 : vector<16xi32>
          %bitcast3A_129 = vector.bitcast %sub3A_128 : vector<16xi32> to vector<16xi32>
          %lt3A_130 = arith.constant 73728 : i32
          %lt3A_131 = vector.broadcast %lt3A_130 : i32 to vector<16xi32>
          %lt3A_132 = arith.cmpi ult, %bitcast3A_129, %lt3A_131 : vector<16xi32>
          %jit3A_133 = arith.constant 0 : i32
          %broadcast_in_dim3A_134 = vector.broadcast %jit3A_133 : i32 to vector<16xi32>
          %select_n3A_135 = arith.select %lt3A_132, %sub3A_128, %broadcast_in_dim3A_134 : vector<16xi1>, vector<16xi32>
          tpu.vector_store_idx %arg7[%select_n3A_135], %get3A_126 masked %lt3A_132 : memref<73728xf32, #tpu.memory_space<vmem>>[vector<16xi32>], vector<16xf32>, vector<16xi1>
          %scan3A_136 = arith.constant 0 : i32
          scf.yield %scan3A_136 : i32
        }
        %scan3A_61 = arith.constant 576 : i32
        %scan3A_62 = arith.constant 0 : i32
        scf.yield %scan3A_62 : i32
      }
      %scan3A_48 = arith.constant 4 : i32
      "tpu.region"() ({
        %run_scoped3A = tpu.sem_alloc : memref<!tpu.dma_semaphore, #tpu.memory_space<semaphore_mem>>
        %dma_start3A = tpu.memref_slice %arg4[%add3A_34] : memref<56623104xf32, #tpu.memory_space<hbm>> -> memref<73728xf32, #tpu.memory_space<hbm>>
        %dma_start3A_50 = tpu.memref_slice %arg4[%add3A_34] : memref<56623104xf32, #tpu.memory_space<hbm>> -> memref<73728xf32, #tpu.memory_space<hbm>>
        tpu.enqueue_dma source(%arg7 : memref<73728xf32, #tpu.memory_space<vmem>>) target(%dma_start3A_50 : memref<73728xf32, #tpu.memory_space<hbm>>) target_semaphore(%run_scoped3A : memref<!tpu.dma_semaphore, #tpu.memory_space<semaphore_mem>>)
        %dma_wait3A = tpu.memref_slice %arg4[%add3A_34] : memref<56623104xf32, #tpu.memory_space<hbm>> -> memref<73728xf32, #tpu.memory_space<hbm>>
        %dma_wait3A_51 = tpu.memref_slice %arg4[%add3A_34] : memref<56623104xf32, #tpu.memory_space<hbm>> -> memref<73728xf32, #tpu.memory_space<hbm>>
        tpu.wait_dma2 semaphore(%run_scoped3A : memref<!tpu.dma_semaphore, #tpu.memory_space<semaphore_mem>>) src(%arg7 : memref<73728xf32, #tpu.memory_space<vmem>>) dst(%dma_wait3A_51 : memref<73728xf32, #tpu.memory_space<hbm>>)
        tpu.yield
      }) : () -> ()
      %scan3A_49 = arith.constant 0 : i32
      scf.yield %scan3A_49 : i32
    }
    %scan3A_7 = arith.constant 12 : i32
    return
  }
}

</mosaic_0001>

<sc_bundles>
// kernel: kernel.3.cloned.1.call-start
scs
__scs_entry_jumppad:
0x0: {  	(pc) =	sbr.rel $0x88, $3  }
0x1: {  	(tag) =	ssettag $0x0;
	lr =	simm.s32 $0x1  }
0x2: {  	[smem:$0x3F9F] =	sst lr;
	_ =	strace $0xD0000000  }
0x3: {  	_ = 	snop  }
0x4: {  	_ = 	snop  }
0x5: {  	_ = 	snop  }
0x6: {  	_ = 	snop  }
0x7: {  	_ = 	snop  }
__scs_overlays_trampoline_lowered:
0x8: {  	[smem:$0x3FAE] =	sst s0  }
0x9: {  	[smem:$0x3FAF] =	sst s1  }
0xa: {  	[smem:$0x3FB0] =	sst s2  }
0xb: {  	[smem:$0x3FB1] =	sst s3  }
0xc: {  	[smem:$0x3FB2] =	sst s4  }
0xd: {  	[smem:$0x3FB3] =	sst s5  }
0xe: {  	[smem:$0x3FB4] =	sst s6  }
0xf: {  	[smem:$0x3FB5] =	sst s7  }
0x10: {  	[smem:$0x3FB6] =	sst s8  }
0x11: {  	[smem:$0x3FB7] =	sst s9;
	s0 =	simm.s32 @!p0 $0x0  }
0x12: {  	s1 =	sld [smem:$0x3F9D];
	s0 =	simm.s32 @p0 $0x1  }
0x13: {  	[smem:$0x3FB8] =	sst s0;
	s0 =	simm.s32 @!p1 $0x0  }
0x14: {  	s2 =	sld [smem:$0x3F9C];
	s0 =	simm.s32 @p1 $0x1  }
0x15: {  	[smem:$0x3FB9] =	sst s0;
	s0 =	simm.s32 @!p2 $0x0  }
0x16: {  	s3 =	sld [smem:$0x3FDB];
	s0 =	simm.s32 @p2 $0x1  }
0x17: {  	s4 =	simm.s32 $0x1BF5;
	[smem:$0x3FBB] =	sst s0  }
0x18: {  	s0 =	sld [smem:$0x3F9E];
	_ =	swait.ge [sflag:s4], $0x0  }
0x19: {  	s7 =	sld [smem:$0x3F9F]  }
0x1a: {  	s8 =	sadd.s32 $0xFFFFE003, lr  }
0x1b: {  	s9 =	sadd.s32 $0xFFFFFEF7, lr;
	s5 =	simm.s32 $0xFFFFFFFF;
	p2 =	slt.u32 s8, $0xFFFFF086  }
0x1c: {  	p1 =	slt.u32 s9, $0xF7A;
	s5 =	simm.s32 @!p2 $0x0  }
0x1d: {  	s5 =	simm.s32 @p1 $0x1;
	p0 =	seq.s32 s7, s2  }
0x1e: {  	s7 =	smul.u32 @!p0 $0xF7A, s2;
	p2 =	seq.s32 @!p0 s5, $0x0  }
0x1f: {  	s9 =	smul.u32 $0xF7A, s1;
	s8 =	simm.s32 @!p0 $0x1BF5;
	p2 =	por !p2, p0  }
0x20: {  	[sflag:s8] =	ssyncset.s32 @!p0 $0xFFFFF086;
	s6 =	sadd.s32 @!p0 s3, s7;
	s7 =	simm.s32 @!p0 $0x108  }
0x21: {  	s3 =	sadd.s32 s3, s9;
	s6 =	sadd.s32 @!p0 $0x88, s6;
	s7 =	simm.s32 @p2 $0x1082  }
0x22: {  	[simem:s7], [sflag:s8] =	dma.local @!p0 [hbm:s6], $0xF7A  }
0x23: {  	s9 =	sor.u32 $0xD0000000, s2;
	s6 =	simm.s32 $0x108;
	_ =	swait.ge @!p0 [sflag:s8], $0x0  }
0x24: {  	s3 =	sadd.s32 $0x88, s3;
	s6 =	simm.s32 @!p1 $0x1082;
	[sflag:s4] =	ssyncset.s32 $0xFFFFF086  }
0x25: {  	[simem:s6], [sflag:s4] =	dma.local [hbm:s3], $0xF7A  }
0x26: {  	[smem:$0x3F9F] =	sst s1;
	(tag) =	ssettag s2;
	_ =	strace s9  }
0x27: {  	s1 =	sld [smem:$0x3FAF]  }
0x28: {  	s2 =	sld [smem:$0x3FB0]  }
0x29: {  	s4 =	sld [smem:$0x3FB2]  }
0x2a: {  	p0 =	seq.s32 s5, $0x0;
	s5 =	sld [smem:$0x3FB3]  }
0x2b: {  	s6 =	sld [smem:$0x3FB4]  }
0x2c: {  	s7 =	sld [smem:$0x3FB5]  }
0x2d: {  	s3 =	simm.s32 $0x108;
	s8 =	sld [smem:$0x3FB6]  }
0x2e: {  	s3 =	simm.s32 @!p0 $0x1082;
	s9 =	sld [smem:$0x3FB7]  }
0x2f: {  	lr =	sadd.s32 s0, s3;
	s0 =	sld [smem:$0x3FAE]  }
0x30: {  	s3 =	sld [smem:$0x3FB1]  }
0x31: {  	[smem:$0x3FBA] =	sst s10  }
0x32: {  	s10 =	sld [smem:$0x3FB8];
	_ =	sdelay $0x3  }
0x33: {  	p0 =	seq.s32 s10, $0x1;
	s10 =	sld [smem:$0x3FBA];
	_ =	sdelay $0x3  }
0x34: {  	[smem:$0x3FBA] =	sst s10  }
0x35: {  	s10 =	sld [smem:$0x3FB9];
	_ =	sdelay $0x3  }
0x36: {  	p1 =	seq.s32 s10, $0x1;
	s10 =	sld [smem:$0x3FBA];
	_ =	sdelay $0x3  }
0x37: {  	[smem:$0x3FBA] =	sst s10  }
0x38: {  	s10 =	sld [smem:$0x3FBB]  }
0x39: {  	_ = 	snop;
	(pc) =	sbr.ind lr, $3  }
0x3a: {  	_ = 	snop  }
0x3b: {  	_ = 	snop  }
0x3c: {  	p2 =	seq.s32 s10, $0x1;
	s10 =	sld [smem:$0x3FBA]  }
0x3d: {  	_ =	shalt  }
0x3e: {  	_ =	shalt  }
0x3f: {  	_ =	shalt  }
0x40: {  	_ =	shalt  }
0x41: {  	_ =	shalt  }
0x42: {  	_ =	shalt  }
0x43: {  	_ =	shalt  }
0x44: {  	_ =	shalt  }
0x45: {  	_ =	shalt  }
0x46: {  	_ =	shalt  }
0x47: {  	_ =	shalt  }
0x48: {  	_ =	shalt  }
0x49: {  	_ =	shalt  }
0x4a: {  	_ =	shalt  }
0x4b: {  	_ =	shalt  }
0x4c: {  	_ =	shalt  }
0x4d: {  	_ =	shalt  }
0x4e: {  	_ =	shalt  }
0x4f: {  	_ =	shalt  }
0x50: {  	_ =	shalt  }
0x51: {  	_ =	shalt  }
0x52: {  	_ =	shalt  }
0x53: {  	_ =	shalt  }
0x54: {  	_ =	shalt  }
0x55: {  	_ =	shalt  }
0x56: {  	_ =	shalt  }
0x57: {  	_ =	shalt  }
0x58: {  	_ =	shalt  }
0x59: {  	_ =	shalt  }
0x5a: {  	_ =	shalt  }
0x5b: {  	_ =	shalt  }
0x5c: {  	_ =	shalt  }
0x5d: {  	_ =	shalt  }
0x5e: {  	_ =	shalt  }
0x5f: {  	_ =	shalt  }
0x60: {  	_ =	shalt  }
0x61: {  	_ =	shalt  }
0x62: {  	_ =	shalt  }
0x63: {  	_ =	shalt  }
0x64: {  	_ =	shalt  }
0x65: {  	_ =	shalt  }
0x66: {  	_ =	shalt  }
0x67: {  	_ =	shalt  }
0x68: {  	_ =	shalt  }
0x69: {  	_ =	shalt  }
0x6a: {  	_ =	shalt  }
0x6b: {  	_ =	shalt  }
0x6c: {  	_ =	shalt  }
0x6d: {  	_ =	shalt  }
0x6e: {  	_ =	shalt  }
0x6f: {  	_ =	shalt  }
0x70: {  	_ =	shalt  }
0x71: {  	_ =	shalt  }
0x72: {  	_ =	shalt  }
0x73: {  	_ =	shalt  }
0x74: {  	_ =	shalt  }
0x75: {  	_ =	shalt  }
0x76: {  	_ =	shalt  }
0x77: {  	_ =	shalt  }
0x78: {  	_ =	shalt  }
0x79: {  	_ =	shalt  }
0x7a: {  	_ =	shalt  }
0x7b: {  	_ =	shalt  }
0x7c: {  	_ =	shalt  }
0x7d: {  	_ =	shalt  }
0x7e: {  	_ =	shalt  }
0x7f: {  	_ =	shalt  }
0x80: {  	_ =	shalt  }
0x81: {  	_ =	shalt  }
0x82: {  	_ =	shalt  }
0x83: {  	_ =	shalt  }
0x84: {  	_ =	shalt  }
0x85: {  	_ =	shalt  }
0x86: {  	_ =	shalt  }
0x87: {  	_ =	shalt  }
.Lfunc_end0:
.L_simem_size_0:
called_computation.1_lowered:
.L_overlay_start_0:
0x88: {  	s2 =	sld [smem:$0x3FD9]  }
0x89: {  	s3 =	sld [smem:$0x3FFE];
	_ =	sdelay $0x1  }
0x8a: {  	s1 =	srdreg.scid  }
0x8b: {  	s0 =	sand.u32 $0x1, s1  }
0x8c: {  	s17 =	sshll.u32 s0, $0xA;
	s2 =	sadd.s32 s3, s2  }
0x8d: {  	s2 =	sadd.s32 s2, s17  }
0x8e: {  	[smem:$0x3FC6] =	sst s2  }
0x8f: {  	_ = 	snop  }
0x90: {  	s2 =	sld [smem:$0x3FD0];
	(tm) =	ssettm $0x1  }
0x91: {  	s18 =	sld [smem:$0x3FFB];
	_ =	sdelay $0x3  }
0x92: {  	_ =	strace s18  }
0x93: {  	s3 =	sld [smem:$0x3FFC];
	_ =	sdelay $0x3  }
0x94: {  	_ =	strace s3  }
0x95: {  	s3 =	sld [smem:$0x3FFD];
	_ =	sdelay $0x3  }
0x96: {  	_ =	strace s3  }
0x97: {  	_ =	strace $0x8FFFFFFF  }
0x98: {  	s19 =	sld [smem:$0x3FDB];
	_ =	sdelay $0x1  }
0x99: {  	s4 =	simm.s32 $_scs_section_size  }
0x9a: {  	s5 =	simm.s32 $_size__tile_overlayer_lowered;
	s6 =	simm.s32 $_tile_overlayer_lowered  }
0x9b: {  	s22 =	simm.s32 $0x1BFF;
	s21 =	sshll.u32 s6, $0x1;
	s3 =	sadd.s32 s4, s19  }
0x9c: {  	s7 =	simm.s32 $0x0;
	s20 =	sshll.u32 s5, $0x1;
	s5 =	sadd.s32 s21, s3  }
0x9d: {  	[timem:s7], [sflag:s22] =	dma.local [hbm:s5], s20  }
0x9e: {  	_ =	swait.ge [sflag:s22], s20  }
0x9f: {  	s4 =	ssub.s32 $0x0, s20;
	[sflag:s22] =	ssyncset.done $0x0  }
0xa0: {  	[sflag:s22] =	ssyncadd.s32 s4;
	_ =	sdelay $0x1  }
0xa1: {  	s23 =	simm.s32 $0x1B8B  }
0xa2: {  	_ =	swait.ge [sflag:s23], $0x1  }
0xa3: {  	[sflag:s23] =	ssyncset.done $0x0  }
0xa4: {  	s25 =	simm.s32 $0x1B8E;
	s24 =	sld [smem:$0x3FFE];
	[sflag:s23] =	ssyncadd.s32 $0xFFFFFFFF  }
0xa5: {  	s26 =	simm.s32 $execute0_lowered;
	[smem:$0x3FD2] =	sst s25  }
0xa6: {  	s5 =	sshll.u32 s26, $0x1;
	_ =	strace $0x80000049;
	[dreg:$0x1] =	wrdreg $0xFFFFFFFF  }
0xa7: {  	s28 =	simm.s32 $_size_execute0_lowered;
	s3 =	sadd.s32 s3, s5;
	[dreg:$0x0] =	wrdreg $0x0  }
0xa8: {  	s5 =	sshll.u32 s28, $0x1;
	[dreg:$0x2] =	wrdreg s3  }
0xa9: {  	[dreg:$0x3] =	wrdreg s5  }
0xaa: {  	[dreg:$0x4] =	wrdreg $0xC0  }
0xab: {  	_ =	task [dreg:s7], $0x5FFFF  }
0xac: {  	[dreg:$0x1] =	wrdreg $0xFFFFFFFF  }
0xad: {  	[dreg:$0x0] =	wrdreg $0x60  }
0xae: {  	[dreg:$0x2] =	wrdreg s2  }
0xaf: {  	[dreg:$0x3] =	wrdreg s24  }
0xb0: {  	[dreg:$0x4] =	wrdreg $0x9  }
0xb1: {  	_ =	task.clear_ibuf [dreg:s7], $0x5FFFF;
	_ =	strace $0x90000049  }
0xb2: {  	s29 =	simm.s32 $0x9;
	_ =	strace $0x8000004B  }
0xb3: {  	_ =	swait.ge [sflag:s29], $0x1  }
0xb4: {  	[sflag:s29] =	ssyncadd.s32 $0xFFFFFFFF  }
0xb5: {  	_ =	strace $0x9000004B  }
0xb6: {  	_ =	sfence  }
0xb7: {  	s30 =	sld [smem:$0x0];
	_ =	sdelay $0x2  }
0xb8: {  	s31 =	sshll.u32 s1, $0xD;
	s1 =	sshrl.u32 s1, $0x2  }
0xb9: {  	s3 =	sand.u32 $0x4000, s31;
	s1 =	sadd.s32 s1, s30  }
0xba: {  	s0 =	sor.u32 s3, s0;
	s1 =	sshll.u32 s1, $0x11  }
0xbb: {  	s0 =	sor.u32 s1, s0  }
0xbc: {  	s0 =	sadd.s32 $0x8F2B, s0  }
0xbd: {  	[sflag:s0] =	ssyncadd.remote.s32 $0x1  }
0xbe: {  	_ =	sfence.sel $0xFFFF  }
0xbf: {  	[dreg:$0x0] =	wrdreg $0xFFFFFFFF;
	(pc) =	sbr.abs _section_cstart, $3  }
0xc0: {  	[dreg:$0x1] =	wrdreg $0xFFFFFFFF  }
0xc1: {  	_ =	task.clear_ibuf [dreg:s7], $0x2FFFF;
	_ =	strace $0x9FFFFFFF  }
0xc2: {  	(tm) =	ssettm $0x7FFFFFFF  }
0xc3: {  	_ =	shalt  }
tec
execute0_lowered:
.L_overlay_start_1:
0x0: {  	(tag) =	ssettag $0x1  }
0x1: {  	s1 =	rddreg [dreg:$0x0]  }
0x2: {  	s5 =	rddreg [dreg:$0x1]  }
0x3: {  	s0 =	rddreg [dreg:$0x2];
	s2 =	simm.s32 $0x0  }
0x4: {  	s3 =	srdreg.scid;
	s10 =	simm.s32 $0x4800;
	s11 =	simm.s32 $0x0  }
0x5: {  	[smem:$0x7FF] =	sst s2;
	s6 =	sand.u32 $0x1, s3;
	s3 =	stileid.u32  }
0x6: {  	s4 =	sadd.s32 $0x1B0200, s5;
	s5 =	sadd.s32 $0x360200, s5;
	s7 =	ssub.s32 $0x2, s6  }
0x7: {  	_ =	strace $0x8000004A;
	s9 =	sshll.u32 s3, $0x1;
	s8 =	sshrl.u32 s7, $0x1  }
0x8: {  	s6 =	sor.u32 s6, s9;
	s9 =	simm.s32 $0x2400;
	s7 =	ssub.s32 s7, s8  }
0x9: {  	v0 =	vimm.f32 $0.0e+00;
	s6 =	smul.u32 $0xC, s6;
	s8 =	simm.s32 $0x1;
	s7 =	smax.u32 s7, $0x1  }
.LBB2_1:
0xa: {  	s12 =	simm.s32 $0x0  }
.LBB2_2:
0xb: {  	s13 =	simm.s32 $0x4840  }
0xc: {  	[tilespmem:s13+$0xFFFFFFC0] =	vst v0  }
0xd: {  	[tilespmem:s13+$0x30] =	vst v0  }
0xe: {  	[tilespmem:s13+$0x20] =	vst v0  }
0xf: {  	[tilespmem:s13+$0x10] =	vst v0  }
0x10: {  	[tilespmem:s13+$0x0] =	vst v0  }
0x11: {  	[tilespmem:s13+$0xFFFFFFF0] =	vst v0  }
0x12: {  	s14 =	simm.s32 $0x0;
	[tilespmem:s13+$0xFFFFFFE0] =	vst v0  }
.LBB2_3:
0x13: {  	s14 =	sadd.s32 $0x8, s14;
	[tilespmem:s13+$0xFFFFFFD0] =	vst v0;
	s13 =	sadd.s32 $0x80, s13  }
0x14: {  	[tilespmem:s13+$0xFFFFFFC0] =	vst v0;
	p0 =	slt.u32 s14, $0x11F8  }
0x15: {  	[tilespmem:s13+$0x30] =	vst v0  }
.Ltmp0:
0x16: {  	[tilespmem:s13+$0x20] =	vst v0;
	(pc) =	sbr.rel @p0 .LBB2_3-.Ltmp0, $4  }
0x17: {  	[tilespmem:s13+$0x10] =	vst v0  }
0x18: {  	[tilespmem:s13+$0x0] =	vst v0  }
0x19: {  	[tilespmem:s13+$0xFFFFFFF0] =	vst v0  }
0x1a: {  	[tilespmem:s13+$0xFFFFFFE0] =	vst v0  }
0x1b: {  	s31 =	sadd.s32 s6, s12  }
0x1c: {  	s14 =	smul.u32 $0x24000, s31;
	_ =	sdelay $0x1  }
0x1d: {  	[tilespmem:s13+$0xFFFFFFD0] =	vst v0;
	s15 =	simm.s32 $0x0;
	s13 =	smul.u32 $0x9000, s31;
	v1 =	vmov s14  }
.LBB2_5:
0x1e: {  	s16 =	smul.u32 $0x2400, s15;
	_ =	sdelay $0x1  }
0x1f: {  	s16 =	sadd.s32 s13, s16  }
0x20: {  	s16 =	sshrl.u32 s16, $0x3  }
0x21: {  	s17 =	sadd.s32 s1, s16  }
0x22: {  	[tilespmem:s2], [sflag:$0x1] =	stream.linear.gather [hbm4b:s17+s2], $0x2400, $0x38;
	[tilespmem:$0x16800] =	vst v63  }
0x23: {  	_ =	swait.ge [sflag:s8], $0x2400  }
0x24: {  	[sflag:s8] =	ssyncset.done $0x0  }
0x25: {  	s16 =	sadd.s32 s4, s16;
	[sflag:s8] =	ssyncadd.s32 $0xFFFFDC00  }
0x26: {  	[tilespmem:s9], [sflag:$0x1] =	stream.linear.gather [hbm4b:s16+s2], $0x2400, $0x38;
	[tilespmem:$0x16800] =	vst v63  }
0x27: {  	_ =	swait.ge [sflag:s8], $0x2400  }
0x28: {  	s18 =	simm.s32 $0x20;
	[sflag:s8] =	ssyncset.done $0x0  }
0x29: {  	s17 =	simm.s32 $0x2420;
	s16 =	simm.s32 $0xFFFFFFFC;
	[sflag:s8] =	ssyncadd.s32 $0xFFFFDC00  }
.LBB2_6:
0x2a: {  	v2 =	vld [tilespmem:s18+$0xFFFFFFE0];
	_ =	sdelay $0x4  }
0x2b: {  	v2 =	vsub.s32 v2, v1  }
0x2c: {  	vm0 =	vlt.u32 v2, $0x12000  }
0x2d: {  	v3 =	vld [tilespmem:s17+$0xFFFFFFE0];
	v2 =	vnsel vm0, $0x0, v2;
	_ =	sdelay $0x4  }
0x2e: {  	[tilespmem:v2+s10+$0x0] =	vst.idx.msk vm0, v3  }
0x2f: {  	v2 =	vld [tilespmem:s18+$0xFFFFFFF0];
	_ =	sdelay $0x4  }
0x30: {  	v2 =	vsub.s32 v2, v1  }
0x31: {  	vm13 =	vlt.u32 v2, $0x12000  }
0x32: {  	v3 =	vld [tilespmem:s17+$0xFFFFFFF0];
	v2 =	vnsel vm13, $0x0, v2;
	_ =	sdelay $0x4  }
0x33: {  	[tilespmem:v2+s10+$0x0] =	vst.idx.msk vm13, v3  }
0x34: {  	v2 =	vld [tilespmem:s18+$0x0];
	_ =	sdelay $0x4  }
0x35: {  	v2 =	vsub.s32 v2, v1  }
0x36: {  	vm14 =	vlt.u32 v2, $0x12000  }
0x37: {  	v3 =	vld [tilespmem:s17+$0x0];
	v2 =	vnsel vm14, $0x0, v2;
	_ =	sdelay $0x4  }
0x38: {  	[tilespmem:v2+s10+$0x0] =	vst.idx.msk vm14, v3  }
0x39: {  	v2 =	vld [tilespmem:s18+$0x10];
	_ =	sdelay $0x4  }
0x3a: {  	v2 =	vsub.s32 v2, v1  }
0x3b: {  	s16 =	sadd.s32 $0x4, s16;
	vm15 =	vlt.u32 v2, $0x12000  }
0x3c: {  	p0 =	slt.u32 s16, $0x23C;
	v3 =	vld [tilespmem:s17+$0x10];
	v2 =	vnsel vm15, $0x0, v2  }
.Ltmp1:
0x3d: {  	_ = 	snop;
	(pc) =	sbr.rel @p0 .LBB2_6-.Ltmp1, $2  }
0x3e: {  	_ =	sdelay $0x2  }
0x3f: {  	s17 =	sadd.s32 $0x40, s17;
	s18 =	sadd.s32 $0x40, s18;
	[tilespmem:v2+s10+$0x0] =	vst.idx.msk vm15, v3  }
0x40: {  	s15 =	sadd.s32 $0x1, s15  }
0x41: {  	p0 =	sne.s32 s15, $0x4  }
.Ltmp2:
0x42: {  	_ = 	snop;
	(pc) =	sbr.rel @p0 .LBB2_5-.Ltmp2, $1  }
0x43: {  	_ =	sdelay $0x3  }
0x44: {  	s15 =	sshrl.u32 s14, $0x3  }
0x45: {  	s15 =	sadd.s32 s5, s15  }
0x46: {  	[hbm4b:s15+s2] =	stream.linear.scatter [tilespmem:s10], [sflag:$0x1], $0x12000, $0x38;
	[tilespmem:$0x16800] =	vst v63  }
0x47: {  	_ =	swait.ge [sflag:s8], $0x12000  }
0x48: {  	[sflag:s8] =	ssyncset.done $0x0  }
0x49: {  	s15 =	simm.s32 $0x4840;
	[sflag:s8] =	ssyncadd.s32 $0xFFFEE000  }
0x4a: {  	[tilespmem:s15+$0xFFFFFFC0] =	vst v0  }
0x4b: {  	[tilespmem:s15+$0x30] =	vst v0  }
0x4c: {  	[tilespmem:s15+$0x20] =	vst v0  }
0x4d: {  	[tilespmem:s15+$0x10] =	vst v0  }
0x4e: {  	[tilespmem:s15+$0x0] =	vst v0  }
0x4f: {  	[tilespmem:s15+$0xFFFFFFF0] =	vst v0  }
0x50: {  	s16 =	simm.s32 $0x0;
	[tilespmem:s15+$0xFFFFFFE0] =	vst v0  }
.LBB2_9:
0x51: {  	s16 =	sadd.s32 $0x8, s16;
	[tilespmem:s15+$0xFFFFFFD0] =	vst v0;
	s15 =	sadd.s32 $0x80, s15  }
0x52: {  	[tilespmem:s15+$0xFFFFFFC0] =	vst v0;
	p0 =	slt.u32 s16, $0x11F8  }
0x53: {  	[tilespmem:s15+$0x30] =	vst v0  }
.Ltmp3:
0x54: {  	[tilespmem:s15+$0x20] =	vst v0;
	(pc) =	sbr.rel @p0 .LBB2_9-.Ltmp3, $4  }
0x55: {  	[tilespmem:s15+$0x10] =	vst v0  }
0x56: {  	[tilespmem:s15+$0x0] =	vst v0  }
0x57: {  	[tilespmem:s15+$0xFFFFFFF0] =	vst v0  }
0x58: {  	[tilespmem:s15+$0xFFFFFFE0] =	vst v0  }
0x59: {  	s14 =	sadd.s32 $0x12000, s14  }
0x5a: {  	[tilespmem:s15+$0xFFFFFFD0] =	vst v0;
	s15 =	simm.s32 $0x0;
	v1 =	vmov s14  }
.LBB2_11:
0x5b: {  	s16 =	smul.u32 $0x2400, s15;
	_ =	sdelay $0x1  }
0x5c: {  	s16 =	sadd.s32 s13, s16  }
0x5d: {  	s16 =	sshrl.u32 s16, $0x3  }
0x5e: {  	s17 =	sadd.s32 s1, s16  }
0x5f: {  	[tilespmem:s2], [sflag:$0x1] =	stream.linear.gather [hbm4b:s17+s2], $0x2400, $0x38;
	[tilespmem:$0x16800] =	vst v63  }
0x60: {  	_ =	swait.ge [sflag:s8], $0x2400  }
0x61: {  	[sflag:s8] =	ssyncset.done $0x0  }
0x62: {  	s16 =	sadd.s32 s4, s16;
	[sflag:s8] =	ssyncadd.s32 $0xFFFFDC00  }
0x63: {  	[tilespmem:s9], [sflag:$0x1] =	stream.linear.gather [hbm4b:s16+s2], $0x2400, $0x38;
	[tilespmem:$0x16800] =	vst v63  }
0x64: {  	_ =	swait.ge [sflag:s8], $0x2400  }
0x65: {  	s18 =	simm.s32 $0x20;
	[sflag:s8] =	ssyncset.done $0x0  }
0x66: {  	s17 =	simm.s32 $0x2420;
	s16 =	simm.s32 $0xFFFFFFFC;
	[sflag:s8] =	ssyncadd.s32 $0xFFFFDC00  }
.LBB2_12:
0x67: {  	v2 =	vld [tilespmem:s18+$0xFFFFFFE0];
	_ =	sdelay $0x4  }
0x68: {  	v2 =	vsub.s32 v2, v1  }
0x69: {  	vm0 =	vlt.u32 v2, $0x12000  }
0x6a: {  	v3 =	vld [tilespmem:s17+$0xFFFFFFE0];
	v2 =	vnsel vm0, $0x0, v2;
	_ =	sdelay $0x4  }
0x6b: {  	[tilespmem:v2+s10+$0x0] =	vst.idx.msk vm0, v3  }
0x6c: {  	v2 =	vld [tilespmem:s18+$0xFFFFFFF0];
	_ =	sdelay $0x4  }
0x6d: {  	v2 =	vsub.s32 v2, v1  }
0x6e: {  	vm13 =	vlt.u32 v2, $0x12000  }
0x6f: {  	v3 =	vld [tilespmem:s17+$0xFFFFFFF0];
	v2 =	vnsel vm13, $0x0, v2;
	_ =	sdelay $0x4  }
0x70: {  	[tilespmem:v2+s10+$0x0] =	vst.idx.msk vm13, v3  }
0x71: {  	v2 =	vld [tilespmem:s18+$0x0];
	_ =	sdelay $0x4  }
0x72: {  	v2 =	vsub.s32 v2, v1  }
0x73: {  	vm14 =	vlt.u32 v2, $0x12000  }
0x74: {  	v3 =	vld [tilespmem:s17+$0x0];
	v2 =	vnsel vm14, $0x0, v2;
	_ =	sdelay $0x4  }
0x75: {  	[tilespmem:v2+s10+$0x0] =	vst.idx.msk vm14, v3  }
0x76: {  	v2 =	vld [tilespmem:s18+$0x10];
	_ =	sdelay $0x4  }
0x77: {  	v2 =	vsub.s32 v2, v1  }
0x78: {  	s16 =	sadd.s32 $0x4, s16;
	vm15 =	vlt.u32 v2, $0x12000  }
0x79: {  	p0 =	slt.u32 s16, $0x23C;
	v3 =	vld [tilespmem:s17+$0x10];
	v2 =	vnsel vm15, $0x0, v2  }
.Ltmp4:
0x7a: {  	_ = 	snop;
	(pc) =	sbr.rel @p0 .LBB2_12-.Ltmp4, $2  }
0x7b: {  	_ =	sdelay $0x2  }
0x7c: {  	s17 =	sadd.s32 $0x40, s17;
	s18 =	sadd.s32 $0x40, s18;
	[tilespmem:v2+s10+$0x0] =	vst.idx.msk vm15, v3  }
0x7d: {  	s15 =	sadd.s32 $0x1, s15  }
0x7e: {  	p0 =	sne.s32 s15, $0x4  }
.Ltmp5:
0x7f: {  	_ = 	snop;
	(pc) =	sbr.rel @p0 .LBB2_11-.Ltmp5, $1  }
0x80: {  	_ =	sdelay $0x3  }
0x81: {  	s12 =	sadd.s32 $0x1, s12  }
0x82: {  	s13 =	sshrl.u32 s14, $0x3;
	p0 =	sne.s32 s12, $0xC  }
.Ltmp6:
0x83: {  	s13 =	sadd.s32 s5, s13;
	(pc) =	sbr.rel @p0 .LBB2_2-.Ltmp6, $4  }
0x84: {  	[hbm4b:s13+s2] =	stream.linear.scatter [tilespmem:s10], [sflag:$0x1], $0x12000, $0x38;
	[tilespmem:$0x16800] =	vst v63  }
0x85: {  	_ =	swait.ge [sflag:s8], $0x12000  }
0x86: {  	[sflag:s8] =	ssyncset.done $0x0  }
0x87: {  	[sflag:s8] =	ssyncadd.s32 $0xFFFEE000  }
0x88: {  	s11 =	sadd.s32 $0x1, s11  }
0x89: {  	p0 =	sne.s32 s11, s7  }
.Ltmp7:
0x8a: {  	_ = 	snop;
	(pc) =	sbr.rel @p0 .LBB2_1-.Ltmp7, $1  }
0x8b: {  	_ =	sdelay $0x3  }
0x8c: {  	_ =	sfence.sel $0x180000  }
0x8d: {  	[bflag:$0x0] =	sbarrier.arrive $0xFFFF  }
0x8e: {  	p0 =	sne.s32 s3, $0x0;
	_ =	strace $0x9000004A  }
0x8f: {  	s0 =	sadd.s32 @!p0 $0x100000, s0;
	[bflag:$0x2] =	sbarrier.arrive $0xFFFF  }
0x90: {  	[sflag:s0] =	ssyncadd.tile.s32 @!p0 $0x1;
	_ =	shalt  }
.Lfunc_end2:
_tile_overlayer_lowered:
.L_overlay_start_2:
0x91: {  	(tag) =	ssettag $0x2  }
0x92: {  	s0 =	rddreg [dreg:$0x0];
	s2 =	stileid.u32  }
0x93: {  	s1 =	rddreg [dreg:$0x1];
	p0 =	sne.s32 s2, $0x0  }
0x94: {  	s3 =	rddreg [dreg:$0x2];
	[bflag:$0x3] =	sbarrier.arrive $0xFFFF;
	s2 =	simm.s32 @!p0 $0x1C01  }
0x95: {  	[timem:s3], [sflag:s2] =	dma.local @!p0 [hbm:s0], s1  }
0x96: {  	s0 =	simm.s32 @!p0 $0x1  }
0x97: {  	_ =	swait.ge @!p0 [sflag:s0], s1  }
0x98: {  	s1 =	ssub.s32 @!p0 $0x0, s1;
	[sflag:s0] =	ssyncset.done @!p0 $0x0  }
0x99: {  	[sflag:s0] =	ssyncadd.s32 @!p0 s1  }
0x9a: {  	[bflag:$0x3] =	sbarrier.arrive $0xFFFF  }
0x9b: {  	_ =	shalt  }

// kernel: sparse-core-data-format-call.cloned.1.call-start
scs
called_computation_lowered:
.L_overlay_start_0:
0x0: {  	s2 =	sld [smem:$0x3FD9]  }
0x1: {  	s3 =	sld [smem:$0x3FFE];
	_ =	sdelay $0x1  }
0x2: {  	s1 =	srdreg.scid  }
0x3: {  	s0 =	sand.u32 $0x1, s1  }
0x4: {  	s18 =	sshll.u32 s0, $0xA;
	s2 =	sadd.s32 s3, s2  }
0x5: {  	s2 =	sadd.s32 s2, s18  }
0x6: {  	[smem:$0x3FC6] =	sst s2  }
0x7: {  	_ = 	snop  }
0x8: {  	s2 =	sld [smem:$0x3FD0];
	(tm) =	ssettm $0x1  }
0x9: {  	s19 =	sld [smem:$0x3FFB];
	_ =	sdelay $0x3  }
0xa: {  	_ =	strace s19  }
0xb: {  	s3 =	sld [smem:$0x3FFC];
	_ =	sdelay $0x3  }
0xc: {  	_ =	strace s3  }
0xd: {  	s3 =	sld [smem:$0x3FFD];
	_ =	sdelay $0x3  }
0xe: {  	_ =	strace s3  }
0xf: {  	_ =	strace $0x8FFFFFFF  }
0x10: {  	s20 =	sld [smem:$0x3FDB];
	_ =	sdelay $0x1  }
0x11: {  	s4 =	simm.s32 $_scs_section_size  }
0x12: {  	s5 =	simm.s32 $_size__tile_overlayer_lowered;
	s6 =	simm.s32 $_tile_overlayer_lowered  }
0x13: {  	s23 =	simm.s32 $0x1BFF;
	s22 =	sshll.u32 s6, $0x1;
	s3 =	sadd.s32 s4, s20  }
0x14: {  	s7 =	simm.s32 $0x0;
	s21 =	sshll.u32 s5, $0x1;
	s5 =	sadd.s32 s22, s3  }
0x15: {  	[timem:s7], [sflag:s23] =	dma.local [hbm:s5], s21  }
0x16: {  	_ =	swait.ge [sflag:s23], s21  }
0x17: {  	s4 =	ssub.s32 $0x0, s21;
	[sflag:s23] =	ssyncset.done $0x0  }
0x18: {  	[sflag:s23] =	ssyncadd.s32 s4;
	_ =	sdelay $0x1  }
0x19: {  	s24 =	simm.s32 $0x1B8B  }
0x1a: {  	_ =	swait.ge [sflag:s24], $0x1  }
0x1b: {  	[sflag:s24] =	ssyncset.done $0x0  }
0x1c: {  	s26 =	simm.s32 $0x1B8E;
	s25 =	sld [smem:$0x3FFE];
	[sflag:s24] =	ssyncadd.s32 $0xFFFFFFFF  }
0x1d: {  	s27 =	simm.s32 $execute0_lowered;
	[smem:$0x3FD2] =	sst s26  }
0x1e: {  	s5 =	sshll.u32 s27, $0x1;
	_ =	strace $0x80000046;
	[dreg:$0x1] =	wrdreg $0xFFFFFFFF  }
0x1f: {  	s28 =	simm.s32 $_size_execute0_lowered;
	s3 =	sadd.s32 s3, s5;
	[dreg:$0x0] =	wrdreg $0x0  }
0x20: {  	s5 =	sshll.u32 s28, $0x1;
	[dreg:$0x2] =	wrdreg s3  }
0x21: {  	[dreg:$0x3] =	wrdreg s5  }
0x22: {  	[dreg:$0x4] =	wrdreg $0xC0  }
0x23: {  	_ =	task [dreg:s7], $0x5FFFF  }
0x24: {  	[dreg:$0x1] =	wrdreg $0xFFFFFFFF  }
0x25: {  	[dreg:$0x0] =	wrdreg $0x60  }
0x26: {  	[dreg:$0x2] =	wrdreg s2  }
0x27: {  	[dreg:$0x3] =	wrdreg s25  }
0x28: {  	[dreg:$0x4] =	wrdreg $0x9  }
0x29: {  	_ =	task.clear_ibuf [dreg:s7], $0x5FFFF;
	_ =	strace $0x90000046  }
0x2a: {  	s29 =	simm.s32 $0x9;
	_ =	strace $0x80000048  }
0x2b: {  	_ =	swait.ge [sflag:s29], $0x1  }
0x2c: {  	[sflag:s29] =	ssyncadd.s32 $0xFFFFFFFF  }
0x2d: {  	_ =	strace $0x90000048  }
0x2e: {  	_ =	sfence  }
0x2f: {  	s30 =	sld [smem:$0x0];
	_ =	sdelay $0x2  }
0x30: {  	s31 =	sshll.u32 s1, $0xD;
	s1 =	sshrl.u32 s1, $0x2  }
0x31: {  	s3 =	sand.u32 $0x4000, s31;
	s1 =	sadd.s32 s1, s30  }
0x32: {  	s0 =	sor.u32 s3, s0;
	s1 =	sshll.u32 s1, $0x11  }
0x33: {  	s0 =	sor.u32 s1, s0  }
0x34: {  	s0 =	sadd.s32 $0x8F2B, s0  }
0x35: {  	[sflag:s0] =	ssyncadd.remote.s32 $0x1  }
0x36: {  	_ =	sfence.sel $0xFFFF  }
0x37: {  	[dreg:$0x0] =	wrdreg $0xFFFFFFFF;
	(pc) =	sbr.abs _section_cstart, $3  }
0x38: {  	[dreg:$0x1] =	wrdreg $0xFFFFFFFF  }
0x39: {  	_ =	task.clear_ibuf [dreg:s7], $0x2FFFF;
	_ =	strace $0x9FFFFFFF  }
0x3a: {  	(tm) =	ssettm $0x7FFFFFFF  }
0x3b: {  	_ =	shalt  }
tec
execute0_lowered:
.L_overlay_start_1:
0x0: {  	(tag) =	ssettag $0x1  }
0x1: {  	s2 =	rddreg [dreg:$0x0]  }
0x2: {  	s0 =	srdreg.scid;
	s6 =	rddreg [dreg:$0x1]  }
0x3: {  	s7 =	simm.s32 $0x2;
	s14 =	simm.s32 $0x0;
	s1 =	sshll.u32 s0, $0x4  }
0x4: {  	s8 =	simm.s32 $0x800;
	s0 =	stileid.u32;
	s1 =	sand.u32 $0x10, s1  }
0x5: {  	s9 =	simm.s32 $0x9000;
	s10 =	simm.s32 $0x0;
	s3 =	sor.u32 s0, s1  }
.Ltmp0:
0x6: {  	s15 =	simm.s32 $0x0;
	s4 =	ssub.s32 $0x4F, s3;
	(pc) =	sbr.rel .LBB1_1-.Ltmp0, $4  }
0x7: {  	s11 =	simm.s32 $0x0;
	s1 =	rddreg [dreg:$0x2];
	s5 =	sshrl.u32 s4, $0x5  }
0x8: {  	_ =	strace $0x80000047;
	s4 =	simm.s32 $0x1;
	s5 =	smul.u32 $0x12, s5  }
0x9: {  	s13 =	simm.s32 $0x0;
	s6 =	sadd.s32 $0x200, s6;
	[sflag:s4] =	ssyncpa.u1 $0x0  }
0xa: {  	s12 =	smov.u32 s3;
	[sflag:s7] =	ssyncpa.u1 $0x0;
	s7 =	sor.u32 $0x1, s5  }
.LBB1_7:
0xb: {  	s16 =	sadd.s32 $0x10, s11  }
0xc: {  	s14 =	sadd.s32 $0x20, s12;
	s18 =	smov.u32 s12;
	p1 =	sgt.s32 s16, $0x11F  }
0xd: {  	s18 =	smov.u32 @p1 s14  }
0xe: {  	s16 =	simm.s32 @p1 $0x0;
	p1 =	sgt.s32 s18, $0x2F  }
0xf: {  	s18 =	smov.u32 @p1 s3;
	p1 =	sne.s32 s13, s7  }
.Ltmp1:
0x10: {  	p0 =	slt.u32 s13, $0x2;
	(pc) =	sbr.rel @!p1 .LBB1_8-.Ltmp1, $4  }
0x11: {  	s17 =	simm.s32 @!p0 $0x2  }
0x12: {  	s15 =	smov.u32 s12;
	s10 =	sadd.s32 $0x4000, s10;
	_ =	swait.ge @!p0 [sflag:s17], $0x4000  }
0x13: {  	s14 =	smov.u32 s11;
	[sflag:s17] =	ssyncset.done @!p0 $0x0;
	s11 =	smov.u32 s16  }
0x14: {  	s13 =	sadd.s32 $0x1, s13;
	[sflag:s17] =	ssyncadd.s32 @!p0 $0xFFFFC000;
	s12 =	smov.u32 s18  }
.LBB1_1:
0x15: {  	p0 =	sge.u32 s13, s5  }
0x16: {  	s16 =	smul.u32 @!p0 $0x9000, s12  }
0x17: {  	s31 =	sadd.s32 $0xFFFFFFFF, s13;
	s17 =	sxor.u32 @!p0 $0xFFFFFFFF, s13  }
0x18: {  	s18 =	sshll.u32 @!p0 s11, $0x7;
	s17 =	sshll.u32 @!p0 s17, $0xE;
	s16 =	sadd.s32 @!p0 s2, s16  }
0x19: {  	s17 =	sand.u32 @!p0 $0x4000, s17;
	s16 =	sadd.s32 @!p0 s18, s16;
	s18 =	simm.s32 @!p0 $0x0  }
0x1a: {  	[tilespmem:s17], [sflag:$0x1] =	stream.linear.gather @!p0 [hbm4b:s16+s18], $0x4000, $0x38;
	[tilespmem:$0x10000] =	vst v63  }
0x1b: {  	p0 =	sge.u32 s31, s5  }
.Ltmp2:
0x1c: {  	_ = 	snop;
	(pc) =	sbr.rel @p0 .LBB1_7-.Ltmp2, $1  }
0x1d: {  	_ =	sdelay $0x3  }
0x1e: {  	s16 =	sand.u32 $0x4000, s10  }
0x1f: {  	_ =	swait.ge [sflag:s4], $0x4000;
	s19 =	sshll.u32 s13, $0xE;
	s17 =	sor.u32 $0x8040, s16  }
0x20: {  	s18 =	sor.u32 $0x40, s16;
	[sflag:s4] =	ssyncset.done $0x0;
	s31 =	sand.u32 $0x4000, s19  }
0x21: {  	s19 =	simm.s32 $0x0;
	[sflag:s4] =	ssyncadd.s32 $0xFFFFC000;
	s16 =	sor.u32 $0x8000, s31  }
.LBB1_3:
0x22: {  	v0 =	vmov s18;
	_ =	sdelay $0x3  }
0x23: {  	s21 =	simm.s32 $0x0  }
0x24: {  	v6 =	vld.idx.msk [tilespmem:v0+s21+$0x30 ss:$0x1], $0xffff  }
0x25: {  	v7 =	vld.idx.msk [tilespmem:v0+s21+$0xFFFFFFC0 ss:$0x1], $0xffff  }
0x26: {  	v5 =	vld.idx.msk [tilespmem:v0+s21+$0xFFFFFFD0 ss:$0x1], $0xffff  }
0x27: {  	v4 =	vld.idx.msk [tilespmem:v0+s21+$0xFFFFFFE0 ss:$0x1], $0xffff  }
0x28: {  	v3 =	vld.idx.msk [tilespmem:v0+s21+$0xFFFFFFF0 ss:$0x1], $0xffff  }
0x29: {  	v1 =	vld.idx.msk [tilespmem:v0+s21+$0x0 ss:$0x1], $0xffff  }
0x2a: {  	v2 =	vld.idx.msk [tilespmem:v0+s21+$0x10 ss:$0x1], $0xffff;
	[tilespmem:s17+$0x30] =	vst v6  }
0x2b: {  	s20 =	simm.s32 $0x80;
	s22 =	simm.s32 $0x400;
	[tilespmem:s17+$0xFFFFFFC0] =	vst v7;
	v6 =	vld.idx.msk [tilespmem:v0+s21+$0x20 ss:$0x1], $0xffff;
	s21 =	smov.u32 s17  }
.LBB1_4:
0x2c: {  	p0 =	sne.s32 s22, $0xE00;
	v7 =	vld.idx.msk [tilespmem:v0+s20+$0x30 ss:$0x1], $0xffff;
	[tilespmem:s21+$0xFFFFFFD0] =	vst v5  }
0x2d: {  	v8 =	vld.idx.msk [tilespmem:v0+s20+$0xFFFFFFC0 ss:$0x1], $0xffff;
	[tilespmem:s21+$0xFFFFFFE0] =	vst v4  }
0x2e: {  	v5 =	vld.idx.msk [tilespmem:v0+s20+$0xFFFFFFD0 ss:$0x1], $0xffff;
	[tilespmem:s21+$0xFFFFFFF0] =	vst v3  }
.Ltmp3:
0x2f: {  	v4 =	vld.idx.msk [tilespmem:v0+s20+$0xFFFFFFE0 ss:$0x1], $0xffff;
	[tilespmem:s21+$0x0] =	vst v1;
	(pc) =	sbr.rel @p0 .LBB1_4-.Ltmp3, $4  }
0x30: {  	v3 =	vld.idx.msk [tilespmem:v0+s20+$0xFFFFFFF0 ss:$0x1], $0xffff;
	[tilespmem:s21+$0x10] =	vst v2  }
0x31: {  	v1 =	vld.idx.msk [tilespmem:v0+s20+$0x0 ss:$0x1], $0xffff;
	[tilespmem:s21+$0x20] =	vst v6;
	s21 =	sadd.s32 $0x800, s21  }
0x32: {  	v2 =	vld.idx.msk [tilespmem:v0+s20+$0x10 ss:$0x1], $0xffff;
	[tilespmem:s21+$0x30] =	vst v7  }
0x33: {  	[tilespmem:s21+$0xFFFFFFC0] =	vst v8;
	v6 =	vld.idx.msk [tilespmem:v0+s20+$0x20 ss:$0x1], $0xffff;
	s20 =	sshra.s32 s22, $0x2;
	s22 =	sadd.s32 $0x200, s22  }
0x34: {  	_ =	sdelay $0x2  }
0x35: {  	[tilespmem:s21+$0xFFFFFFD0] =	vst v5  }
0x36: {  	v56 =	vld.idx.msk [tilespmem:v0+s20+$0x30 ss:$0x1], $0xffff;
	[tilespmem:s21+$0xFFFFFFE0] =	vst v4  }
0x37: {  	v57 =	vld.idx.msk [tilespmem:v0+s20+$0xFFFFFFC0 ss:$0x1], $0xffff;
	[tilespmem:s21+$0xFFFFFFF0] =	vst v3  }
0x38: {  	v58 =	vld.idx.msk [tilespmem:v0+s20+$0xFFFFFFD0 ss:$0x1], $0xffff;
	[tilespmem:s21+$0x0] =	vst v1  }
0x39: {  	v59 =	vld.idx.msk [tilespmem:v0+s20+$0xFFFFFFE0 ss:$0x1], $0xffff;
	[tilespmem:s21+$0x10] =	vst v2  }
0x3a: {  	v60 =	vld.idx.msk [tilespmem:v0+s20+$0xFFFFFFF0 ss:$0x1], $0xffff;
	s31 =	sadd.s32 $0x800, s21;
	[tilespmem:s21+$0x20] =	vst v6  }
0x3b: {  	v61 =	vld.idx.msk [tilespmem:v0+s20+$0x0 ss:$0x1], $0xffff;
	[tilespmem:s31+$0x30] =	vst v56  }
0x3c: {  	v62 =	vld.idx.msk [tilespmem:v0+s20+$0x10 ss:$0x1], $0xffff;
	s19 =	sadd.s32 $0x1, s19;
	[tilespmem:s31+$0xFFFFFFC0] =	vst v57  }
0x3d: {  	v63 =	vld.idx.msk [tilespmem:v0+s20+$0x20 ss:$0x1], $0xffff;
	p0 =	sne.s32 s19, $0x10;
	[tilespmem:s31+$0xFFFFFFD0] =	vst v58  }
.Ltmp4:
0x3e: {  	[tilespmem:s31+$0xFFFFFFE0] =	vst v59;
	(pc) =	sbr.rel @p0 .LBB1_3-.Ltmp4, $4  }
0x3f: {  	[tilespmem:s31+$0xFFFFFFF0] =	vst v60  }
0x40: {  	[tilespmem:s31+$0x0] =	vst v61  }
0x41: {  	[tilespmem:s31+$0x10] =	vst v62  }
0x42: {  	s17 =	sadd.s32 $0x80, s17;
	s18 =	sadd.s32 $0x400, s18;
	[tilespmem:s31+$0x20] =	vst v63  }
0x43: {  	s14 =	sand.u32 $0x1FFFFFF, s14  }
0x44: {  	s17 =	smulhi.u32 $0xE38E39, s14  }
0x45: {  	s15 =	smul.u32 $0x9000, s15  }
0x46: {  	s17 =	smul.u32 $0x120, s17  }
.Ltmp5:
0x47: {  	_ = 	snop;
	(pc) =	sbr.rel .LBB1_7-.Ltmp5, $4  }
0x48: {  	s14 =	ssub.s32 s14, s17  }
0x49: {  	s15 =	sadd.s32 s6, s15;
	s14 =	sshll.u32 s14, $0x4  }
0x4a: {  	s14 =	sadd.s32 s14, s15  }
0x4b: {  	[hbm4b:s14+s8] =	stream.strided.scatter [tilespmem:s16], [sflag:$0x2], $0x4000, s9, s8, $0x38;
	[tilespmem:$0x10000] =	vst v63  }
.LBB1_8:
0x4c: {  	_ =	sfence.sel $0x180000  }
0x4d: {  	s2 =	simm.s32 $0x1;
	[bflag:$0x0] =	sbarrier.arrive $0xFFFF  }
0x4e: {  	s31 =	simm.s32 $0x2;
	[sflag:s2] =	ssyncpa.u1 $0x1  }
0x4f: {  	[sflag:s31] =	ssyncpa.u1 $0x1  }
0x50: {  	p0 =	sne.s32 s0, $0x0;
	_ =	strace $0x90000047  }
0x51: {  	s0 =	sadd.s32 @!p0 $0x100000, s1;
	[bflag:$0x2] =	sbarrier.arrive $0xFFFF  }
0x52: {  	[sflag:s0] =	ssyncadd.tile.s32 @!p0 $0x1;
	_ =	shalt  }
.Lfunc_end1:
_tile_overlayer_lowered:
.L_overlay_start_2:
0x53: {  	(tag) =	ssettag $0x2  }
0x54: {  	s0 =	rddreg [dreg:$0x0];
	s2 =	stileid.u32  }
0x55: {  	s1 =	rddreg [dreg:$0x1];
	p0 =	sne.s32 s2, $0x0  }
0x56: {  	s3 =	rddreg [dreg:$0x2];
	[bflag:$0x3] =	sbarrier.arrive $0xFFFF;
	s2 =	simm.s32 @!p0 $0x1C01  }
0x57: {  	[timem:s3], [sflag:s2] =	dma.local @!p0 [hbm:s0], s1  }
0x58: {  	s0 =	simm.s32 @!p0 $0x1  }
0x59: {  	_ =	swait.ge @!p0 [sflag:s0], s1  }
0x5a: {  	s1 =	ssub.s32 @!p0 $0x0, s1;
	[sflag:s0] =	ssyncset.done @!p0 $0x0  }
0x5b: {  	[sflag:s0] =	ssyncadd.s32 @!p0 s1  }
0x5c: {  	[bflag:$0x3] =	sbarrier.arrive $0xFFFF  }
0x5d: {  	_ =	shalt  }

</sc_bundles>
